<compile_context>
chip_gen: v7x
topology: tpu7x:2x2x1
jax: 0.10.2.dev20260603
libtpu: 0.0.44.dev20260713+nightly
codegen_flags: <defaults>
</compile_context>

<pallas_src>
import functools
import math

import jax
import jax.numpy as jnp
from jax import lax
from jax.experimental import pallas as pl
from jax.experimental.pallas import tpu as pltpu
from jax.experimental.pallas import tpu_sc as plsc

D_MODEL = 64
D_PAD = 128
SCALE = math.sqrt(D_MODEL)
NUM_CORES = 2
NUM_SUBCORES = 16
NUM_WORKERS = NUM_CORES * NUM_SUBCORES
CHUNK = 128
NBUF = 4


@functools.partial(jax.jit, static_argnames=("batch",))
def _embed(tokens_flat, weight, *, batch):
    b_per_w = batch // NUM_WORKERS
    n_chunks = b_per_w // CHUNK
    n_groups = n_chunks // NBUF
    mesh = plsc.VectorSubcoreMesh(core_axis_name="c", subcore_axis_name="s")

    scratch = (
        [pltpu.VMEM((b_per_w,), jnp.int32)]
        + [pltpu.VMEM((CHUNK, D_PAD), jnp.float32) for _ in range(NBUF)]
        + [pltpu.SemaphoreType.DMA, pltpu.SemaphoreType.DMA((NBUF,)),
           pltpu.SemaphoreType.DMA((NBUF,))]
    )

    @functools.partial(
        pl.kernel,
        mesh=mesh,
        out_type=jax.ShapeDtypeStruct((batch, D_PAD), jnp.float32),
        scratch_types=scratch,
        compiler_params=pltpu.CompilerParams(use_tc_tiling_on_sc=False),
    )
    def emb_kernel(tok_hbm, w_hbm, out_hbm, idx_all, *sc):
        rows_v = sc[:NBUF]
        ksem, gsem, osem = sc[NBUF], sc[NBUF + 1], sc[NBUF + 2]
        wid = lax.axis_index("s") * NUM_CORES + lax.axis_index("c")
        base = wid * b_per_w
        pltpu.async_copy(tok_hbm.at[pl.ds(base, b_per_w)], idx_all, ksem).wait()

        def fire(ci, b):
            pltpu.async_copy(
                w_hbm.at[idx_all.at[pl.ds(ci * CHUNK, CHUNK)]],
                rows_v[b], gsem.at[b])

        for b in range(NBUF):
            fire(b, b)

        def group(g, carry):
            for b in range(NBUF):
                ci = g * NBUF + b
                off = base + ci * CHUNK
                pltpu.make_async_copy(
                    w_hbm.at[idx_all.at[pl.ds(ci * CHUNK, CHUNK)]],
                    rows_v[b], gsem.at[b]).wait()

                @plsc.parallel_loop(0, CHUNK, unroll=8)
                def _row(i, _b=b):
                    for j in range(D_MODEL // 16):
                        sl = pl.ds(16 * j, 16)
                        rows_v[_b][i, sl] = rows_v[_b][i, sl] * SCALE

                pltpu.async_copy(rows_v[b], out_hbm.at[pl.ds(off, CHUNK)],
                                 osem.at[b])

                cj = ci - 2
                bj = (b - 2) % NBUF

                @pl.when((cj >= 0) & (cj + NBUF < n_chunks))
                def _next():
                    pltpu.make_async_copy(
                        rows_v[bj], out_hbm.at[pl.ds(base + cj * CHUNK, CHUNK)],
                        osem.at[bj]).wait()
                    fire(cj + NBUF, bj)
            return carry

        lax.fori_loop(0, n_groups, group, 0)
        for b in range(NBUF):
            off = base + (n_chunks - NBUF + b) * CHUNK
            pltpu.make_async_copy(
                rows_v[b], out_hbm.at[pl.ds(off, CHUNK)], osem.at[b]).wait()

    return emb_kernel(tokens_flat, weight)


def kernel(tokens, weight):
    n_seq, n_tok = tokens.shape
    batch = n_seq * n_tok
    tok_flat = tokens.reshape(batch).astype(jnp.int32)
    weight_pad = jnp.pad(weight, ((0, 0), (0, D_PAD - D_MODEL)))
    out = _embed(tok_flat, weight_pad, batch=batch)
    return out[:, :D_MODEL].reshape(n_seq, n_tok, D_MODEL)

# --- scband reference (transcript-rebuilt; emitter-appended) ---
"""Pipeline reference for scband-audio-token-embedding-23321672417661 (READ-ONLY COPY).

The authoritative reference and input builder live on the scoring server;
editing this copy changes nothing except your own understanding.
"""

import jax, jax.numpy as jnp
import numpy as np
import math

VOCAB = 1000000
D_MODEL = 64

def setup_inputs(seed: int = 0) -> dict:
    key = jax.random.key(seed)
    k_tok, k_w = jax.random.split(key)
    tokens = jax.random.randint(k_tok, (4096, 200), 0, VOCAB, dtype=jnp.int64 if jax.config.jax_enable_x64 else jnp.int32)
    weight = jax.random.normal(k_w, (VOCAB, D_MODEL), dtype=jnp.float32) * (D_MODEL ** -0.5)
    return {"tokens": tokens, "weight": weight}

def reference(tokens, weight):
    # embedding lookup followed by sqrt(d_model) scaling, as in the torch module
    emb = jnp.take(weight, tokens, axis=0)
    return emb * math.sqrt(D_MODEL)

if __name__ == "__main__":
    import jax
    _d = setup_inputs()
    print(jax.jit(kernel)(*tuple(_d.values())))

</pallas_src>

<mosaic_0001>
#map = affine_map<(d0, d1) -> (0)>
#map1 = affine_map<(d0, d1) -> (0, 0)>
module attributes {stable_mosaic.version = 14 : i64} {
  func.func @emb_kernel(%arg0: i32, %arg1: i32, %arg2: memref<819200xi32, #tpu.memory_space<hbm>>, %arg3: memref<1000000x128xf32, #tpu.memory_space<hbm>>, %arg4: memref<819200x128xf32, #tpu.memory_space<hbm>>, %arg5: memref<25600xi32, #tpu.memory_space<vmem>>, %arg6: memref<128x128xf32, #tpu.memory_space<vmem>>, %arg7: memref<128x128xf32, #tpu.memory_space<vmem>>, %arg8: memref<128x128xf32, #tpu.memory_space<vmem>>, %arg9: memref<128x128xf32, #tpu.memory_space<vmem>>, %arg10: memref<!tpu.dma_semaphore, #tpu.memory_space<semaphore_mem>>, %arg11: memref<4x!tpu.dma_semaphore, #tpu.memory_space<semaphore_mem>>, %arg12: memref<4x!tpu.dma_semaphore, #tpu.memory_space<semaphore_mem>>) attributes {dimension_semantics = [#tpu.dimension_semantics<core_parallel>, #tpu.dimension_semantics<subcore_parallel>], iteration_bounds = array<i64: 2, 16>, scalar_prefetch = 0 : i64, scratch_operands = 8 : i64, tpu.core_type = #tpu.core_type<sc_vector_subcore>, window_params = [{transform_indices = #map}, {transform_indices = #map1}, {transform_indices = #map1}]} {
    %mul3A = arith.constant 2 : i32
    %mul3A_0 = arith.muli %arg1, %mul3A : i32
    %add3A = arith.addi %mul3A_0, %arg0 : i32
    %mul3A_1 = arith.constant 25600 : i32
    %mul3A_2 = arith.muli %add3A, %mul3A_1 : i32
    %dma_start3A = tpu.memref_slice %arg2[%mul3A_2] : memref<819200xi32, #tpu.memory_space<hbm>> -> memref<25600xi32, #tpu.memory_space<hbm>>
    %dma_start3A_3 = tpu.memref_slice %arg2[%mul3A_2] : memref<819200xi32, #tpu.memory_space<hbm>> -> memref<25600xi32, #tpu.memory_space<hbm>>
    tpu.enqueue_dma source(%dma_start3A_3 : memref<25600xi32, #tpu.memory_space<hbm>>) target(%arg5 : memref<25600xi32, #tpu.memory_space<vmem>>) target_semaphore(%arg10 : memref<!tpu.dma_semaphore, #tpu.memory_space<semaphore_mem>>)
    %dma_wait3A = tpu.memref_slice %arg2[%mul3A_2] : memref<819200xi32, #tpu.memory_space<hbm>> -> memref<25600xi32, #tpu.memory_space<hbm>>
    %dma_wait3A_4 = tpu.memref_slice %arg2[%mul3A_2] : memref<819200xi32, #tpu.memory_space<hbm>> -> memref<25600xi32, #tpu.memory_space<hbm>>
    tpu.wait_dma2 semaphore(%arg10 : memref<!tpu.dma_semaphore, #tpu.memory_space<semaphore_mem>>) src(%dma_wait3A_4 : memref<25600xi32, #tpu.memory_space<hbm>>) dst(%arg5 : memref<25600xi32, #tpu.memory_space<vmem>>)
    %dma_start3A_5 = arith.constant 0 : i32
    %dma_start3A_6 = arith.constant 0 : i32
    %dma_start3A_7 = tpu.memref_slice %arg5[%dma_start3A_6] : memref<25600xi32, #tpu.memory_space<vmem>> -> memref<128xi32, #tpu.memory_space<vmem>>
    %dma_start3A_8 = arith.constant 0 : i32
    %dma_start3A_9 = arith.constant 0 : i32
    %dma_start3A_10 = tpu.memref_slice %arg3[%dma_start3A_8, %dma_start3A_9] : memref<1000000x128xf32, #tpu.memory_space<hbm>> -> memref<1000000x128xf32, #tpu.memory_space<hbm>>
    %dma_start3A_11 = tpu.memref_slice %arg11[%dma_start3A_5] : memref<4x!tpu.dma_semaphore, #tpu.memory_space<semaphore_mem>> -> memref<1x!tpu.dma_semaphore, #tpu.memory_space<semaphore_mem>>
    %dma_start3A_12 = tpu.memref_squeeze %dma_start3A_11 : memref<1x!tpu.dma_semaphore, #tpu.memory_space<semaphore_mem>> -> memref<!tpu.dma_semaphore, #tpu.memory_space<semaphore_mem>>
    tpu.enqueue_indirect_dma source(%dma_start3A_10 : memref<1000000x128xf32, #tpu.memory_space<hbm>>) target(%arg6 : memref<128x128xf32, #tpu.memory_space<vmem>>) offsets(%dma_start3A_7 : memref<128xi32, #tpu.memory_space<vmem>>) semaphore(%dma_start3A_12 : memref<!tpu.dma_semaphore, #tpu.memory_space<semaphore_mem>>)
    %dma_start3A_13 = arith.constant 1 : i32
    %dma_start3A_14 = arith.constant 128 : i32
    %dma_start3A_15 = tpu.memref_slice %arg5[%dma_start3A_14] : memref<25600xi32, #tpu.memory_space<vmem>> -> memref<128xi32, #tpu.memory_space<vmem>>
    %dma_start3A_16 = arith.constant 0 : i32
    %dma_start3A_17 = arith.constant 0 : i32
    %dma_start3A_18 = tpu.memref_slice %arg3[%dma_start3A_16, %dma_start3A_17] : memref<1000000x128xf32, #tpu.memory_space<hbm>> -> memref<1000000x128xf32, #tpu.memory_space<hbm>>
    %dma_start3A_19 = tpu.memref_slice %arg11[%dma_start3A_13] : memref<4x!tpu.dma_semaphore, #tpu.memory_space<semaphore_mem>> -> memref<1x!tpu.dma_semaphore, #tpu.memory_space<semaphore_mem>>
    %dma_start3A_20 = tpu.memref_squeeze %dma_start3A_19 : memref<1x!tpu.dma_semaphore, #tpu.memory_space<semaphore_mem>> -> memref<!tpu.dma_semaphore, #tpu.memory_space<semaphore_mem>>
    tpu.enqueue_indirect_dma source(%dma_start3A_18 : memref<1000000x128xf32, #tpu.memory_space<hbm>>) target(%arg7 : memref<128x128xf32, #tpu.memory_space<vmem>>) offsets(%dma_start3A_15 : memref<128xi32, #tpu.memory_space<vmem>>) semaphore(%dma_start3A_20 : memref<!tpu.dma_semaphore, #tpu.memory_space<semaphore_mem>>)
    %dma_start3A_21 = arith.constant 2 : i32
    %dma_start3A_22 = arith.constant 256 : i32
    %dma_start3A_23 = tpu.memref_slice %arg5[%dma_start3A_22] : memref<25600xi32, #tpu.memory_space<vmem>> -> memref<128xi32, #tpu.memory_space<vmem>>
    %dma_start3A_24 = arith.constant 0 : i32
    %dma_start3A_25 = arith.constant 0 : i32
    %dma_start3A_26 = tpu.memref_slice %arg3[%dma_start3A_24, %dma_start3A_25] : memref<1000000x128xf32, #tpu.memory_space<hbm>> -> memref<1000000x128xf32, #tpu.memory_space<hbm>>
    %dma_start3A_27 = tpu.memref_slice %arg11[%dma_start3A_21] : memref<4x!tpu.dma_semaphore, #tpu.memory_space<semaphore_mem>> -> memref<1x!tpu.dma_semaphore, #tpu.memory_space<semaphore_mem>>
    %dma_start3A_28 = tpu.memref_squeeze %dma_start3A_27 : memref<1x!tpu.dma_semaphore, #tpu.memory_space<semaphore_mem>> -> memref<!tpu.dma_semaphore, #tpu.memory_space<semaphore_mem>>
    tpu.enqueue_indirect_dma source(%dma_start3A_26 : memref<1000000x128xf32, #tpu.memory_space<hbm>>) target(%arg8 : memref<128x128xf32, #tpu.memory_space<vmem>>) offsets(%dma_start3A_23 : memref<128xi32, #tpu.memory_space<vmem>>) semaphore(%dma_start3A_28 : memref<!tpu.dma_semaphore, #tpu.memory_space<semaphore_mem>>)
    %dma_start3A_29 = arith.constant 3 : i32
    %dma_start3A_30 = arith.constant 384 : i32
    %dma_start3A_31 = tpu.memref_slice %arg5[%dma_start3A_30] : memref<25600xi32, #tpu.memory_space<vmem>> -> memref<128xi32, #tpu.memory_space<vmem>>
    %dma_start3A_32 = arith.constant 0 : i32
    %dma_start3A_33 = arith.constant 0 : i32
    %dma_start3A_34 = tpu.memref_slice %arg3[%dma_start3A_32, %dma_start3A_33] : memref<1000000x128xf32, #tpu.memory_space<hbm>> -> memref<1000000x128xf32, #tpu.memory_space<hbm>>
    %dma_start3A_35 = tpu.memref_slice %arg11[%dma_start3A_29] : memref<4x!tpu.dma_semaphore, #tpu.memory_space<semaphore_mem>> -> memref<1x!tpu.dma_semaphore, #tpu.memory_space<semaphore_mem>>
    %dma_start3A_36 = tpu.memref_squeeze %dma_start3A_35 : memref<1x!tpu.dma_semaphore, #tpu.memory_space<semaphore_mem>> -> memref<!tpu.dma_semaphore, #tpu.memory_space<semaphore_mem>>
    tpu.enqueue_indirect_dma source(%dma_start3A_34 : memref<1000000x128xf32, #tpu.memory_space<hbm>>) target(%arg9 : memref<128x128xf32, #tpu.memory_space<vmem>>) offsets(%dma_start3A_31 : memref<128xi32, #tpu.memory_space<vmem>>) semaphore(%dma_start3A_36 : memref<!tpu.dma_semaphore, #tpu.memory_space<semaphore_mem>>)
    %scan3A = arith.constant 0 : i32
    %scan3A_37 = arith.constant 0 : i32
    %scan3A_38 = arith.constant 50 : i32
    %scan3A_39 = arith.addi %scan3A_37, %scan3A_38 : i32
    %scan3A_40 = arith.constant 1 : i32
    scf.for %scan3A_78 = %scan3A_37 to %scan3A_39 step %scan3A_40  : i32 {
      %mul3A_79 = arith.constant 4 : i32
      %mul3A_80 = arith.muli %scan3A_78, %mul3A_79 : i32
      %add3A_81 = arith.constant 0 : i32
      %add3A_82 = arith.addi %mul3A_80, %add3A_81 : i32
      %mul3A_83 = arith.constant 128 : i32
      %mul3A_84 = arith.muli %add3A_82, %mul3A_83 : i32
      %add3A_85 = arith.addi %mul3A_2, %mul3A_84 : i32
      %mul3A_86 = arith.constant 128 : i32
      %mul3A_87 = arith.muli %add3A_82, %mul3A_86 : i32
      %dma_wait3A_88 = arith.constant 0 : i32
      %dma_wait3A_89 = tpu.memref_slice %arg5[%mul3A_87] : memref<25600xi32, #tpu.memory_space<vmem>> -> memref<128xi32, #tpu.memory_space<vmem>>
      %dma_wait3A_90 = arith.constant 0 : i32
      %dma_wait3A_91 = arith.constant 0 : i32
      %dma_wait3A_92 = tpu.memref_slice %arg3[%dma_wait3A_90, %dma_wait3A_91] : memref<1000000x128xf32, #tpu.memory_space<hbm>> -> memref<1000000x128xf32, #tpu.memory_space<hbm>>
      %dma_wait3A_93 = tpu.memref_slice %arg11[%dma_wait3A_88] : memref<4x!tpu.dma_semaphore, #tpu.memory_space<semaphore_mem>> -> memref<1x!tpu.dma_semaphore, #tpu.memory_space<semaphore_mem>>
      %dma_wait3A_94 = tpu.memref_squeeze %dma_wait3A_93 : memref<1x!tpu.dma_semaphore, #tpu.memory_space<semaphore_mem>> -> memref<!tpu.dma_semaphore, #tpu.memory_space<semaphore_mem>>
      tpu.wait_indirect_dma semaphore(%dma_wait3A_94 : memref<!tpu.dma_semaphore, #tpu.memory_space<semaphore_mem>>) src(%dma_wait3A_92 : memref<1000000x128xf32, #tpu.memory_space<hbm>>) dst(%arg6 : memref<128x128xf32, #tpu.memory_space<vmem>>)
      %parallel_loop3A = arith.constant 0 : i32
      %parallel_loop3A_95 = arith.constant 128 : i32
      %parallel_loop3A_96 = arith.constant 1 : i32
      scf.for %parallel_loop3A_224 = %parallel_loop3A to %parallel_loop3A_95 step %parallel_loop3A_96  : i32 {
        %parallel_loop3A_225 = arith.index_cast %parallel_loop3A_224 : i32 to index
        %parallel_loop3A_226 = arith.constant 0 : index
        %parallel_loop3A_227 = tpu.vector_load %arg6[%parallel_loop3A_225, %parallel_loop3A_226] {strides = array<i32>} : memref<128x128xf32, #tpu.memory_space<vmem>>, vector<1x16xf32>,
        %parallel_loop3A_228 = vector.shape_cast %parallel_loop3A_227 : vector<1x16xf32> to vector<16xf32>
        %parallel_loop3A_229 = arith.constant 8.000000e+00 : f32
        %parallel_loop3A_230 = vector.broadcast %parallel_loop3A_229 : f32 to vector<16xf32>
        %parallel_loop3A_231 = arith.mulf %parallel_loop3A_228, %parallel_loop3A_230 : vector<16xf32>
        %parallel_loop3A_232 = arith.index_cast %parallel_loop3A_224 : i32 to index
        %parallel_loop3A_233 = arith.constant 0 : index
        %parallel_loop3A_234 = tpu.vector_load %arg6[%parallel_loop3A_232, %parallel_loop3A_233] {strides = array<i32>} : memref<128x128xf32, #tpu.memory_space<vmem>>, vector<1x16xf32>,
        %parallel_loop3A_235 = vector.shape_cast %parallel_loop3A_234 : vector<1x16xf32> to vector<16xf32>
        %parallel_loop3A_236 = vector.shape_cast %parallel_loop3A_231 : vector<16xf32> to vector<1x16xf32>
        tpu.vector_store %arg6[%parallel_loop3A_232, %parallel_loop3A_233], %parallel_loop3A_236 {strides = array<i32>} : memref<128x128xf32, #tpu.memory_space<vmem>>, vector<1x16xf32>,
        %parallel_loop3A_237 = arith.index_cast %parallel_loop3A_224 : i32 to index
        %parallel_loop3A_238 = arith.constant 16 : index
        %parallel_loop3A_239 = tpu.vector_load %arg6[%parallel_loop3A_237, %parallel_loop3A_238] {strides = array<i32>} : memref<128x128xf32, #tpu.memory_space<vmem>>, vector<1x16xf32>,
        %parallel_loop3A_240 = vector.shape_cast %parallel_loop3A_239 : vector<1x16xf32> to vector<16xf32>
        %parallel_loop3A_241 = arith.constant 8.000000e+00 : f32
        %parallel_loop3A_242 = vector.broadcast %parallel_loop3A_241 : f32 to vector<16xf32>
        %parallel_loop3A_243 = arith.mulf %parallel_loop3A_240, %parallel_loop3A_242 : vector<16xf32>
        %parallel_loop3A_244 = arith.index_cast %parallel_loop3A_224 : i32 to index
        %parallel_loop3A_245 = arith.constant 16 : index
        %parallel_loop3A_246 = tpu.vector_load %arg6[%parallel_loop3A_244, %parallel_loop3A_245] {strides = array<i32>} : memref<128x128xf32, #tpu.memory_space<vmem>>, vector<1x16xf32>,
        %parallel_loop3A_247 = vector.shape_cast %parallel_loop3A_246 : vector<1x16xf32> to vector<16xf32>
        %parallel_loop3A_248 = vector.shape_cast %parallel_loop3A_243 : vector<16xf32> to vector<1x16xf32>
        tpu.vector_store %arg6[%parallel_loop3A_244, %parallel_loop3A_245], %parallel_loop3A_248 {strides = array<i32>} : memref<128x128xf32, #tpu.memory_space<vmem>>, vector<1x16xf32>,
        %parallel_loop3A_249 = arith.index_cast %parallel_loop3A_224 : i32 to index
        %parallel_loop3A_250 = arith.constant 32 : index
        %parallel_loop3A_251 = tpu.vector_load %arg6[%parallel_loop3A_249, %parallel_loop3A_250] {strides = array<i32>} : memref<128x128xf32, #tpu.memory_space<vmem>>, vector<1x16xf32>,
        %parallel_loop3A_252 = vector.shape_cast %parallel_loop3A_251 : vector<1x16xf32> to vector<16xf32>
        %parallel_loop3A_253 = arith.constant 8.000000e+00 : f32
        %parallel_loop3A_254 = vector.broadcast %parallel_loop3A_253 : f32 to vector<16xf32>
        %parallel_loop3A_255 = arith.mulf %parallel_loop3A_252, %parallel_loop3A_254 : vector<16xf32>
        %parallel_loop3A_256 = arith.index_cast %parallel_loop3A_224 : i32 to index
        %parallel_loop3A_257 = arith.constant 32 : index
        %parallel_loop3A_258 = tpu.vector_load %arg6[%parallel_loop3A_256, %parallel_loop3A_257] {strides = array<i32>} : memref<128x128xf32, #tpu.memory_space<vmem>>, vector<1x16xf32>,
        %parallel_loop3A_259 = vector.shape_cast %parallel_loop3A_258 : vector<1x16xf32> to vector<16xf32>
        %parallel_loop3A_260 = vector.shape_cast %parallel_loop3A_255 : vector<16xf32> to vector<1x16xf32>
        tpu.vector_store %arg6[%parallel_loop3A_256, %parallel_loop3A_257], %parallel_loop3A_260 {strides = array<i32>} : memref<128x128xf32, #tpu.memory_space<vmem>>, vector<1x16xf32>,
        %parallel_loop3A_261 = arith.index_cast %parallel_loop3A_224 : i32 to index
        %parallel_loop3A_262 = arith.constant 48 : index
        %parallel_loop3A_263 = tpu.vector_load %arg6[%parallel_loop3A_261, %parallel_loop3A_262] {strides = array<i32>} : memref<128x128xf32, #tpu.memory_space<vmem>>, vector<1x16xf32>,
        %parallel_loop3A_264 = vector.shape_cast %parallel_loop3A_263 : vector<1x16xf32> to vector<16xf32>
        %parallel_loop3A_265 = arith.constant 8.000000e+00 : f32
        %parallel_loop3A_266 = vector.broadcast %parallel_loop3A_265 : f32 to vector<16xf32>
        %parallel_loop3A_267 = arith.mulf %parallel_loop3A_264, %parallel_loop3A_266 : vector<16xf32>
        %parallel_loop3A_268 = arith.index_cast %parallel_loop3A_224 : i32 to index
        %parallel_loop3A_269 = arith.constant 48 : index
        %parallel_loop3A_270 = tpu.vector_load %arg6[%parallel_loop3A_268, %parallel_loop3A_269] {strides = array<i32>} : memref<128x128xf32, #tpu.memory_space<vmem>>, vector<1x16xf32>,
        %parallel_loop3A_271 = vector.shape_cast %parallel_loop3A_270 : vector<1x16xf32> to vector<16xf32>
        %parallel_loop3A_272 = vector.shape_cast %parallel_loop3A_267 : vector<16xf32> to vector<1x16xf32>
        tpu.vector_store %arg6[%parallel_loop3A_268, %parallel_loop3A_269], %parallel_loop3A_272 {strides = array<i32>} : memref<128x128xf32, #tpu.memory_space<vmem>>, vector<1x16xf32>,
      } {sc.loop_unroll_factor = 8 : i64, sc.parallel_access}
      %dma_start3A_97 = arith.constant 0 : i32
      %dma_start3A_98 = arith.constant 0 : i32
      %dma_start3A_99 = tpu.memref_slice %arg4[%add3A_85, %dma_start3A_98] : memref<819200x128xf32, #tpu.memory_space<hbm>> -> memref<128x128xf32, #tpu.memory_space<hbm>>
      %dma_start3A_100 = tpu.memref_slice %arg12[%dma_start3A_97] : memref<4x!tpu.dma_semaphore, #tpu.memory_space<semaphore_mem>> -> memref<1x!tpu.dma_semaphore, #tpu.memory_space<semaphore_mem>>
      %dma_start3A_101 = tpu.memref_squeeze %dma_start3A_100 : memref<1x!tpu.dma_semaphore, #tpu.memory_space<semaphore_mem>> -> memref<!tpu.dma_semaphore, #tpu.memory_space<semaphore_mem>>
      %dma_start3A_102 = arith.constant 0 : i32
      %dma_start3A_103 = tpu.memref_slice %arg4[%add3A_85, %dma_start3A_102] : memref<819200x128xf32, #tpu.memory_space<hbm>> -> memref<128x128xf32, #tpu.memory_space<hbm>>
      tpu.enqueue_dma source(%arg6 : memref<128x128xf32, #tpu.memory_space<vmem>>) target(%dma_start3A_103 : memref<128x128xf32, #tpu.memory_space<hbm>>) target_semaphore(%dma_start3A_101 : memref<!tpu.dma_semaphore, #tpu.memory_space<semaphore_mem>>)
      %sub3A = arith.constant 2 : i32
      %sub3A_104 = arith.subi %add3A_82, %sub3A : i32
      %ge3A = arith.constant 0 : i32
      %ge3A_105 = arith.cmpi sge, %sub3A_104, %ge3A : i32
      %add3A_106 = arith.constant 4 : i32
      %add3A_107 = arith.addi %sub3A_104, %add3A_106 : i32
      %lt3A = arith.constant 200 : i32
      %lt3A_108 = arith.cmpi slt, %add3A_107, %lt3A : i32
      %and3A = arith.andi %ge3A_105, %lt3A_108 : i1
      %convert_element_type3A = arith.extui %and3A : i1 to i32
      %cond3A = arith.constant 0 : i32
      %cond3A_109 = arith.cmpi ne, %convert_element_type3A, %cond3A : i32
      scf.if %cond3A_109 {
        %mul3A_224 = arith.constant 128 : i32
        %mul3A_225 = arith.muli %sub3A_104, %mul3A_224 : i32
        %add3A_226 = arith.addi %mul3A_2, %mul3A_225 : i32
        %dma_wait3A_227 = arith.constant 2 : i32
        %dma_wait3A_228 = arith.constant 0 : i32
        %dma_wait3A_229 = tpu.memref_slice %arg4[%add3A_226, %dma_wait3A_228] : memref<819200x128xf32, #tpu.memory_space<hbm>> -> memref<128x128xf32, #tpu.memory_space<hbm>>
        %dma_wait3A_230 = tpu.memref_slice %arg12[%dma_wait3A_227] : memref<4x!tpu.dma_semaphore, #tpu.memory_space<semaphore_mem>> -> memref<1x!tpu.dma_semaphore, #tpu.memory_space<semaphore_mem>>
        %dma_wait3A_231 = tpu.memref_squeeze %dma_wait3A_230 : memref<1x!tpu.dma_semaphore, #tpu.memory_space<semaphore_mem>> -> memref<!tpu.dma_semaphore, #tpu.memory_space<semaphore_mem>>
        %dma_wait3A_232 = arith.constant 0 : i32
        %dma_wait3A_233 = tpu.memref_slice %arg4[%add3A_226, %dma_wait3A_232] : memref<819200x128xf32, #tpu.memory_space<hbm>> -> memref<128x128xf32, #tpu.memory_space<hbm>>
        tpu.wait_dma2 semaphore(%dma_wait3A_231 : memref<!tpu.dma_semaphore, #tpu.memory_space<semaphore_mem>>) src(%arg8 : memref<128x128xf32, #tpu.memory_space<vmem>>) dst(%dma_wait3A_233 : memref<128x128xf32, #tpu.memory_space<hbm>>)
        %add3A_234 = arith.constant 4 : i32
        %add3A_235 = arith.addi %sub3A_104, %add3A_234 : i32
        %mul3A_236 = arith.constant 128 : i32
        %mul3A_237 = arith.muli %add3A_235, %mul3A_236 : i32
        %dma_start3A_238 = arith.constant 2 : i32
        %dma_start3A_239 = tpu.memref_slice %arg5[%mul3A_237] : memref<25600xi32, #tpu.memory_space<vmem>> -> memref<128xi32, #tpu.memory_space<vmem>>
        %dma_start3A_240 = arith.constant 0 : i32
        %dma_start3A_241 = arith.constant 0 : i32
        %dma_start3A_242 = tpu.memref_slice %arg3[%dma_start3A_240, %dma_start3A_241] : memref<1000000x128xf32, #tpu.memory_space<hbm>> -> memref<1000000x128xf32, #tpu.memory_space<hbm>>
        %dma_start3A_243 = tpu.memref_slice %arg11[%dma_start3A_238] : memref<4x!tpu.dma_semaphore, #tpu.memory_space<semaphore_mem>> -> memref<1x!tpu.dma_semaphore, #tpu.memory_space<semaphore_mem>>
        %dma_start3A_244 = tpu.memref_squeeze %dma_start3A_243 : memref<1x!tpu.dma_semaphore, #tpu.memory_space<semaphore_mem>> -> memref<!tpu.dma_semaphore, #tpu.memory_space<semaphore_mem>>
        tpu.enqueue_indirect_dma source(%dma_start3A_242 : memref<1000000x128xf32, #tpu.memory_space<hbm>>) target(%arg8 : memref<128x128xf32, #tpu.memory_space<vmem>>) offsets(%dma_start3A_239 : memref<128xi32, #tpu.memory_space<vmem>>) semaphore(%dma_start3A_244 : memref<!tpu.dma_semaphore, #tpu.memory_space<semaphore_mem>>)
      } else {
      }
      %mul3A_110 = arith.constant 4 : i32
      %mul3A_111 = arith.muli %scan3A_78, %mul3A_110 : i32
      %add3A_112 = arith.constant 1 : i32
      %add3A_113 = arith.addi %mul3A_111, %add3A_112 : i32
      %mul3A_114 = arith.constant 128 : i32
      %mul3A_115 = arith.muli %add3A_113, %mul3A_114 : i32
      %add3A_116 = arith.addi %mul3A_2, %mul3A_115 : i32
      %mul3A_117 = arith.constant 128 : i32
      %mul3A_118 = arith.muli %add3A_113, %mul3A_117 : i32
      %dma_wait3A_119 = arith.constant 1 : i32
      %dma_wait3A_120 = tpu.memref_slice %arg5[%mul3A_118] : memref<25600xi32, #tpu.memory_space<vmem>> -> memref<128xi32, #tpu.memory_space<vmem>>
      %dma_wait3A_121 = arith.constant 0 : i32
      %dma_wait3A_122 = arith.constant 0 : i32
      %dma_wait3A_123 = tpu.memref_slice %arg3[%dma_wait3A_121, %dma_wait3A_122] : memref<1000000x128xf32, #tpu.memory_space<hbm>> -> memref<1000000x128xf32, #tpu.memory_space<hbm>>
      %dma_wait3A_124 = tpu.memref_slice %arg11[%dma_wait3A_119] : memref<4x!tpu.dma_semaphore, #tpu.memory_space<semaphore_mem>> -> memref<1x!tpu.dma_semaphore, #tpu.memory_space<semaphore_mem>>
      %dma_wait3A_125 = tpu.memref_squeeze %dma_wait3A_124 : memref<1x!tpu.dma_semaphore, #tpu.memory_space<semaphore_mem>> -> memref<!tpu.dma_semaphore, #tpu.memory_space<semaphore_mem>>
      tpu.wait_indirect_dma semaphore(%dma_wait3A_125 : memref<!tpu.dma_semaphore, #tpu.memory_space<semaphore_mem>>) src(%dma_wait3A_123 : memref<1000000x128xf32, #tpu.memory_space<hbm>>) dst(%arg7 : memref<128x128xf32, #tpu.memory_space<vmem>>)
      %parallel_loop3A_126 = arith.constant 0 : i32
      %parallel_loop3A_127 = arith.constant 128 : i32
      %parallel_loop3A_128 = arith.constant 1 : i32
      scf.for %parallel_loop3A_224 = %parallel_loop3A_126 to %parallel_loop3A_127 step %parallel_loop3A_128  : i32 {
        %parallel_loop3A_225 = arith.index_cast %parallel_loop3A_224 : i32 to index
        %parallel_loop3A_226 = arith.constant 0 : index
        %parallel_loop3A_227 = tpu.vector_load %arg7[%parallel_loop3A_225, %parallel_loop3A_226] {strides = array<i32>} : memref<128x128xf32, #tpu.memory_space<vmem>>, vector<1x16xf32>,
        %parallel_loop3A_228 = vector.shape_cast %parallel_loop3A_227 : vector<1x16xf32> to vector<16xf32>
        %parallel_loop3A_229 = arith.constant 8.000000e+00 : f32
        %parallel_loop3A_230 = vector.broadcast %parallel_loop3A_229 : f32 to vector<16xf32>
        %parallel_loop3A_231 = arith.mulf %parallel_loop3A_228, %parallel_loop3A_230 : vector<16xf32>
        %parallel_loop3A_232 = arith.index_cast %parallel_loop3A_224 : i32 to index
        %parallel_loop3A_233 = arith.constant 0 : index
        %parallel_loop3A_234 = tpu.vector_load %arg7[%parallel_loop3A_232, %parallel_loop3A_233] {strides = array<i32>} : memref<128x128xf32, #tpu.memory_space<vmem>>, vector<1x16xf32>,
        %parallel_loop3A_235 = vector.shape_cast %parallel_loop3A_234 : vector<1x16xf32> to vector<16xf32>
        %parallel_loop3A_236 = vector.shape_cast %parallel_loop3A_231 : vector<16xf32> to vector<1x16xf32>
        tpu.vector_store %arg7[%parallel_loop3A_232, %parallel_loop3A_233], %parallel_loop3A_236 {strides = array<i32>} : memref<128x128xf32, #tpu.memory_space<vmem>>, vector<1x16xf32>,
        %parallel_loop3A_237 = arith.index_cast %parallel_loop3A_224 : i32 to index
        %parallel_loop3A_238 = arith.constant 16 : index
        %parallel_loop3A_239 = tpu.vector_load %arg7[%parallel_loop3A_237, %parallel_loop3A_238] {strides = array<i32>} : memref<128x128xf32, #tpu.memory_space<vmem>>, vector<1x16xf32>,
        %parallel_loop3A_240 = vector.shape_cast %parallel_loop3A_239 : vector<1x16xf32> to vector<16xf32>
        %parallel_loop3A_241 = arith.constant 8.000000e+00 : f32
        %parallel_loop3A_242 = vector.broadcast %parallel_loop3A_241 : f32 to vector<16xf32>
        %parallel_loop3A_243 = arith.mulf %parallel_loop3A_240, %parallel_loop3A_242 : vector<16xf32>
        %parallel_loop3A_244 = arith.index_cast %parallel_loop3A_224 : i32 to index
        %parallel_loop3A_245 = arith.constant 16 : index
        %parallel_loop3A_246 = tpu.vector_load %arg7[%parallel_loop3A_244, %parallel_loop3A_245] {strides = array<i32>} : memref<128x128xf32, #tpu.memory_space<vmem>>, vector<1x16xf32>,
        %parallel_loop3A_247 = vector.shape_cast %parallel_loop3A_246 : vector<1x16xf32> to vector<16xf32>
        %parallel_loop3A_248 = vector.shape_cast %parallel_loop3A_243 : vector<16xf32> to vector<1x16xf32>
        tpu.vector_store %arg7[%parallel_loop3A_244, %parallel_loop3A_245], %parallel_loop3A_248 {strides = array<i32>} : memref<128x128xf32, #tpu.memory_space<vmem>>, vector<1x16xf32>,
        %parallel_loop3A_249 = arith.index_cast %parallel_loop3A_224 : i32 to index
        %parallel_loop3A_250 = arith.constant 32 : index
        %parallel_loop3A_251 = tpu.vector_load %arg7[%parallel_loop3A_249, %parallel_loop3A_250] {strides = array<i32>} : memref<128x128xf32, #tpu.memory_space<vmem>>, vector<1x16xf32>,
        %parallel_loop3A_252 = vector.shape_cast %parallel_loop3A_251 : vector<1x16xf32> to vector<16xf32>
        %parallel_loop3A_253 = arith.constant 8.000000e+00 : f32
        %parallel_loop3A_254 = vector.broadcast %parallel_loop3A_253 : f32 to vector<16xf32>
        %parallel_loop3A_255 = arith.mulf %parallel_loop3A_252, %parallel_loop3A_254 : vector<16xf32>
        %parallel_loop3A_256 = arith.index_cast %parallel_loop3A_224 : i32 to index
        %parallel_loop3A_257 = arith.constant 32 : index
        %parallel_loop3A_258 = tpu.vector_load %arg7[%parallel_loop3A_256, %parallel_loop3A_257] {strides = array<i32>} : memref<128x128xf32, #tpu.memory_space<vmem>>, vector<1x16xf32>,
        %parallel_loop3A_259 = vector.shape_cast %parallel_loop3A_258 : vector<1x16xf32> to vector<16xf32>
        %parallel_loop3A_260 = vector.shape_cast %parallel_loop3A_255 : vector<16xf32> to vector<1x16xf32>
        tpu.vector_store %arg7[%parallel_loop3A_256, %parallel_loop3A_257], %parallel_loop3A_260 {strides = array<i32>} : memref<128x128xf32, #tpu.memory_space<vmem>>, vector<1x16xf32>,
        %parallel_loop3A_261 = arith.index_cast %parallel_loop3A_224 : i32 to index
        %parallel_loop3A_262 = arith.constant 48 : index
        %parallel_loop3A_263 = tpu.vector_load %arg7[%parallel_loop3A_261, %parallel_loop3A_262] {strides = array<i32>} : memref<128x128xf32, #tpu.memory_space<vmem>>, vector<1x16xf32>,
        %parallel_loop3A_264 = vector.shape_cast %parallel_loop3A_263 : vector<1x16xf32> to vector<16xf32>
        %parallel_loop3A_265 = arith.constant 8.000000e+00 : f32
        %parallel_loop3A_266 = vector.broadcast %parallel_loop3A_265 : f32 to vector<16xf32>
        %parallel_loop3A_267 = arith.mulf %parallel_loop3A_264, %parallel_loop3A_266 : vector<16xf32>
        %parallel_loop3A_268 = arith.index_cast %parallel_loop3A_224 : i32 to index
        %parallel_loop3A_269 = arith.constant 48 : index
        %parallel_loop3A_270 = tpu.vector_load %arg7[%parallel_loop3A_268, %parallel_loop3A_269] {strides = array<i32>} : memref<128x128xf32, #tpu.memory_space<vmem>>, vector<1x16xf32>,
        %parallel_loop3A_271 = vector.shape_cast %parallel_loop3A_270 : vector<1x16xf32> to vector<16xf32>
        %parallel_loop3A_272 = vector.shape_cast %parallel_loop3A_267 : vector<16xf32> to vector<1x16xf32>
        tpu.vector_store %arg7[%parallel_loop3A_268, %parallel_loop3A_269], %parallel_loop3A_272 {strides = array<i32>} : memref<128x128xf32, #tpu.memory_space<vmem>>, vector<1x16xf32>,
      } {sc.loop_unroll_factor = 8 : i64, sc.parallel_access}
      %dma_start3A_129 = arith.constant 1 : i32
      %dma_start3A_130 = arith.constant 0 : i32
      %dma_start3A_131 = tpu.memref_slice %arg4[%add3A_116, %dma_start3A_130] : memref<819200x128xf32, #tpu.memory_space<hbm>> -> memref<128x128xf32, #tpu.memory_space<hbm>>
      %dma_start3A_132 = tpu.memref_slice %arg12[%dma_start3A_129] : memref<4x!tpu.dma_semaphore, #tpu.memory_space<semaphore_mem>> -> memref<1x!tpu.dma_semaphore, #tpu.memory_space<semaphore_mem>>
      %dma_start3A_133 = tpu.memref_squeeze %dma_start3A_132 : memref<1x!tpu.dma_semaphore, #tpu.memory_space<semaphore_mem>> -> memref<!tpu.dma_semaphore, #tpu.memory_space<semaphore_mem>>
      %dma_start3A_134 = arith.constant 0 : i32
      %dma_start3A_135 = tpu.memref_slice %arg4[%add3A_116, %dma_start3A_134] : memref<819200x128xf32, #tpu.memory_space<hbm>> -> memref<128x128xf32, #tpu.memory_space<hbm>>
      tpu.enqueue_dma source(%arg7 : memref<128x128xf32, #tpu.memory_space<vmem>>) target(%dma_start3A_135 : memref<128x128xf32, #tpu.memory_space<hbm>>) target_semaphore(%dma_start3A_133 : memref<!tpu.dma_semaphore, #tpu.memory_space<semaphore_mem>>)
      %sub3A_136 = arith.constant 2 : i32
      %sub3A_137 = arith.subi %add3A_113, %sub3A_136 : i32
      %ge3A_138 = arith.constant 0 : i32
      %ge3A_139 = arith.cmpi sge, %sub3A_137, %ge3A_138 : i32
      %add3A_140 = arith.constant 4 : i32
      %add3A_141 = arith.addi %sub3A_137, %add3A_140 : i32
      %lt3A_142 = arith.constant 200 : i32
      %lt3A_143 = arith.cmpi slt, %add3A_141, %lt3A_142 : i32
      %and3A_144 = arith.andi %ge3A_139, %lt3A_143 : i1
      %convert_element_type3A_145 = arith.extui %and3A_144 : i1 to i32
      %cond3A_146 = arith.constant 0 : i32
      %cond3A_147 = arith.cmpi ne, %convert_element_type3A_145, %cond3A_146 : i32
      scf.if %cond3A_147 {
        %mul3A_224 = arith.constant 128 : i32
        %mul3A_225 = arith.muli %sub3A_137, %mul3A_224 : i32
        %add3A_226 = arith.addi %mul3A_2, %mul3A_225 : i32
        %dma_wait3A_227 = arith.constant 3 : i32
        %dma_wait3A_228 = arith.constant 0 : i32
        %dma_wait3A_229 = tpu.memref_slice %arg4[%add3A_226, %dma_wait3A_228] : memref<819200x128xf32, #tpu.memory_space<hbm>> -> memref<128x128xf32, #tpu.memory_space<hbm>>
        %dma_wait3A_230 = tpu.memref_slice %arg12[%dma_wait3A_227] : memref<4x!tpu.dma_semaphore, #tpu.memory_space<semaphore_mem>> -> memref<1x!tpu.dma_semaphore, #tpu.memory_space<semaphore_mem>>
        %dma_wait3A_231 = tpu.memref_squeeze %dma_wait3A_230 : memref<1x!tpu.dma_semaphore, #tpu.memory_space<semaphore_mem>> -> memref<!tpu.dma_semaphore, #tpu.memory_space<semaphore_mem>>
        %dma_wait3A_232 = arith.constant 0 : i32
        %dma_wait3A_233 = tpu.memref_slice %arg4[%add3A_226, %dma_wait3A_232] : memref<819200x128xf32, #tpu.memory_space<hbm>> -> memref<128x128xf32, #tpu.memory_space<hbm>>
        tpu.wait_dma2 semaphore(%dma_wait3A_231 : memref<!tpu.dma_semaphore, #tpu.memory_space<semaphore_mem>>) src(%arg9 : memref<128x128xf32, #tpu.memory_space<vmem>>) dst(%dma_wait3A_233 : memref<128x128xf32, #tpu.memory_space<hbm>>)
        %add3A_234 = arith.constant 4 : i32
        %add3A_235 = arith.addi %sub3A_137, %add3A_234 : i32
        %mul3A_236 = arith.constant 128 : i32
        %mul3A_237 = arith.muli %add3A_235, %mul3A_236 : i32
        %dma_start3A_238 = arith.constant 3 : i32
        %dma_start3A_239 = tpu.memref_slice %arg5[%mul3A_237] : memref<25600xi32, #tpu.memory_space<vmem>> -> memref<128xi32, #tpu.memory_space<vmem>>
        %dma_start3A_240 = arith.constant 0 : i32
        %dma_start3A_241 = arith.constant 0 : i32
        %dma_start3A_242 = tpu.memref_slice %arg3[%dma_start3A_240, %dma_start3A_241] : memref<1000000x128xf32, #tpu.memory_space<hbm>> -> memref<1000000x128xf32, #tpu.memory_space<hbm>>
        %dma_start3A_243 = tpu.memref_slice %arg11[%dma_start3A_238] : memref<4x!tpu.dma_semaphore, #tpu.memory_space<semaphore_mem>> -> memref<1x!tpu.dma_semaphore, #tpu.memory_space<semaphore_mem>>
        %dma_start3A_244 = tpu.memref_squeeze %dma_start3A_243 : memref<1x!tpu.dma_semaphore, #tpu.memory_space<semaphore_mem>> -> memref<!tpu.dma_semaphore, #tpu.memory_space<semaphore_mem>>
        tpu.enqueue_indirect_dma source(%dma_start3A_242 : memref<1000000x128xf32, #tpu.memory_space<hbm>>) target(%arg9 : memref<128x128xf32, #tpu.memory_space<vmem>>) offsets(%dma_start3A_239 : memref<128xi32, #tpu.memory_space<vmem>>) semaphore(%dma_start3A_244 : memref<!tpu.dma_semaphore, #tpu.memory_space<semaphore_mem>>)
      } else {
      }
      %mul3A_148 = arith.constant 4 : i32
      %mul3A_149 = arith.muli %scan3A_78, %mul3A_148 : i32
      %add3A_150 = arith.constant 2 : i32
      %add3A_151 = arith.addi %mul3A_149, %add3A_150 : i32
      %mul3A_152 = arith.constant 128 : i32
      %mul3A_153 = arith.muli %add3A_151, %mul3A_152 : i32
      %add3A_154 = arith.addi %mul3A_2, %mul3A_153 : i32
      %mul3A_155 = arith.constant 128 : i32
      %mul3A_156 = arith.muli %add3A_151, %mul3A_155 : i32
      %dma_wait3A_157 = arith.constant 2 : i32
      %dma_wait3A_158 = tpu.memref_slice %arg5[%mul3A_156] : memref<25600xi32, #tpu.memory_space<vmem>> -> memref<128xi32, #tpu.memory_space<vmem>>
      %dma_wait3A_159 = arith.constant 0 : i32
      %dma_wait3A_160 = arith.constant 0 : i32
      %dma_wait3A_161 = tpu.memref_slice %arg3[%dma_wait3A_159, %dma_wait3A_160] : memref<1000000x128xf32, #tpu.memory_space<hbm>> -> memref<1000000x128xf32, #tpu.memory_space<hbm>>
      %dma_wait3A_162 = tpu.memref_slice %arg11[%dma_wait3A_157] : memref<4x!tpu.dma_semaphore, #tpu.memory_space<semaphore_mem>> -> memref<1x!tpu.dma_semaphore, #tpu.memory_space<semaphore_mem>>
      %dma_wait3A_163 = tpu.memref_squeeze %dma_wait3A_162 : memref<1x!tpu.dma_semaphore, #tpu.memory_space<semaphore_mem>> -> memref<!tpu.dma_semaphore, #tpu.memory_space<semaphore_mem>>
      tpu.wait_indirect_dma semaphore(%dma_wait3A_163 : memref<!tpu.dma_semaphore, #tpu.memory_space<semaphore_mem>>) src(%dma_wait3A_161 : memref<1000000x128xf32, #tpu.memory_space<hbm>>) dst(%arg8 : memref<128x128xf32, #tpu.memory_space<vmem>>)
      %parallel_loop3A_164 = arith.constant 0 : i32
      %parallel_loop3A_165 = arith.constant 128 : i32
      %parallel_loop3A_166 = arith.constant 1 : i32
      scf.for %parallel_loop3A_224 = %parallel_loop3A_164 to %parallel_loop3A_165 step %parallel_loop3A_166  : i32 {
        %parallel_loop3A_225 = arith.index_cast %parallel_loop3A_224 : i32 to index
        %parallel_loop3A_226 = arith.constant 0 : index
        %parallel_loop3A_227 = tpu.vector_load %arg8[%parallel_loop3A_225, %parallel_loop3A_226] {strides = array<i32>} : memref<128x128xf32, #tpu.memory_space<vmem>>, vector<1x16xf32>,
        %parallel_loop3A_228 = vector.shape_cast %parallel_loop3A_227 : vector<1x16xf32> to vector<16xf32>
        %parallel_loop3A_229 = arith.constant 8.000000e+00 : f32
        %parallel_loop3A_230 = vector.broadcast %parallel_loop3A_229 : f32 to vector<16xf32>
        %parallel_loop3A_231 = arith.mulf %parallel_loop3A_228, %parallel_loop3A_230 : vector<16xf32>
        %parallel_loop3A_232 = arith.index_cast %parallel_loop3A_224 : i32 to index
        %parallel_loop3A_233 = arith.constant 0 : index
        %parallel_loop3A_234 = tpu.vector_load %arg8[%parallel_loop3A_232, %parallel_loop3A_233] {strides = array<i32>} : memref<128x128xf32, #tpu.memory_space<vmem>>, vector<1x16xf32>,
        %parallel_loop3A_235 = vector.shape_cast %parallel_loop3A_234 : vector<1x16xf32> to vector<16xf32>
        %parallel_loop3A_236 = vector.shape_cast %parallel_loop3A_231 : vector<16xf32> to vector<1x16xf32>
        tpu.vector_store %arg8[%parallel_loop3A_232, %parallel_loop3A_233], %parallel_loop3A_236 {strides = array<i32>} : memref<128x128xf32, #tpu.memory_space<vmem>>, vector<1x16xf32>,
        %parallel_loop3A_237 = arith.index_cast %parallel_loop3A_224 : i32 to index
        %parallel_loop3A_238 = arith.constant 16 : index
        %parallel_loop3A_239 = tpu.vector_load %arg8[%parallel_loop3A_237, %parallel_loop3A_238] {strides = array<i32>} : memref<128x128xf32, #tpu.memory_space<vmem>>, vector<1x16xf32>,
        %parallel_loop3A_240 = vector.shape_cast %parallel_loop3A_239 : vector<1x16xf32> to vector<16xf32>
        %parallel_loop3A_241 = arith.constant 8.000000e+00 : f32
        %parallel_loop3A_242 = vector.broadcast %parallel_loop3A_241 : f32 to vector<16xf32>
        %parallel_loop3A_243 = arith.mulf %parallel_loop3A_240, %parallel_loop3A_242 : vector<16xf32>
        %parallel_loop3A_244 = arith.index_cast %parallel_loop3A_224 : i32 to index
        %parallel_loop3A_245 = arith.constant 16 : index
        %parallel_loop3A_246 = tpu.vector_load %arg8[%parallel_loop3A_244, %parallel_loop3A_245] {strides = array<i32>} : memref<128x128xf32, #tpu.memory_space<vmem>>, vector<1x16xf32>,
        %parallel_loop3A_247 = vector.shape_cast %parallel_loop3A_246 : vector<1x16xf32> to vector<16xf32>
        %parallel_loop3A_248 = vector.shape_cast %parallel_loop3A_243 : vector<16xf32> to vector<1x16xf32>
        tpu.vector_store %arg8[%parallel_loop3A_244, %parallel_loop3A_245], %parallel_loop3A_248 {strides = array<i32>} : memref<128x128xf32, #tpu.memory_space<vmem>>, vector<1x16xf32>,
        %parallel_loop3A_249 = arith.index_cast %parallel_loop3A_224 : i32 to index
        %parallel_loop3A_250 = arith.constant 32 : index
        %parallel_loop3A_251 = tpu.vector_load %arg8[%parallel_loop3A_249, %parallel_loop3A_250] {strides = array<i32>} : memref<128x128xf32, #tpu.memory_space<vmem>>, vector<1x16xf32>,
        %parallel_loop3A_252 = vector.shape_cast %parallel_loop3A_251 : vector<1x16xf32> to vector<16xf32>
        %parallel_loop3A_253 = arith.constant 8.000000e+00 : f32
        %parallel_loop3A_254 = vector.broadcast %parallel_loop3A_253 : f32 to vector<16xf32>
        %parallel_loop3A_255 = arith.mulf %parallel_loop3A_252, %parallel_loop3A_254 : vector<16xf32>
        %parallel_loop3A_256 = arith.index_cast %parallel_loop3A_224 : i32 to index
        %parallel_loop3A_257 = arith.constant 32 : index
        %parallel_loop3A_258 = tpu.vector_load %arg8[%parallel_loop3A_256, %parallel_loop3A_257] {strides = array<i32>} : memref<128x128xf32, #tpu.memory_space<vmem>>, vector<1x16xf32>,
        %parallel_loop3A_259 = vector.shape_cast %parallel_loop3A_258 : vector<1x16xf32> to vector<16xf32>
        %parallel_loop3A_260 = vector.shape_cast %parallel_loop3A_255 : vector<16xf32> to vector<1x16xf32>
        tpu.vector_store %arg8[%parallel_loop3A_256, %parallel_loop3A_257], %parallel_loop3A_260 {strides = array<i32>} : memref<128x128xf32, #tpu.memory_space<vmem>>, vector<1x16xf32>,
        %parallel_loop3A_261 = arith.index_cast %parallel_loop3A_224 : i32 to index
        %parallel_loop3A_262 = arith.constant 48 : index
        %parallel_loop3A_263 = tpu.vector_load %arg8[%parallel_loop3A_261, %parallel_loop3A_262] {strides = array<i32>} : memref<128x128xf32, #tpu.memory_space<vmem>>, vector<1x16xf32>,
        %parallel_loop3A_264 = vector.shape_cast %parallel_loop3A_263 : vector<1x16xf32> to vector<16xf32>
        %parallel_loop3A_265 = arith.constant 8.000000e+00 : f32
        %parallel_loop3A_266 = vector.broadcast %parallel_loop3A_265 : f32 to vector<16xf32>
        %parallel_loop3A_267 = arith.mulf %parallel_loop3A_264, %parallel_loop3A_266 : vector<16xf32>
        %parallel_loop3A_268 = arith.index_cast %parallel_loop3A_224 : i32 to index
        %parallel_loop3A_269 = arith.constant 48 : index
        %parallel_loop3A_270 = tpu.vector_load %arg8[%parallel_loop3A_268, %parallel_loop3A_269] {strides = array<i32>} : memref<128x128xf32, #tpu.memory_space<vmem>>, vector<1x16xf32>,
        %parallel_loop3A_271 = vector.shape_cast %parallel_loop3A_270 : vector<1x16xf32> to vector<16xf32>
        %parallel_loop3A_272 = vector.shape_cast %parallel_loop3A_267 : vector<16xf32> to vector<1x16xf32>
        tpu.vector_store %arg8[%parallel_loop3A_268, %parallel_loop3A_269], %parallel_loop3A_272 {strides = array<i32>} : memref<128x128xf32, #tpu.memory_space<vmem>>, vector<1x16xf32>,
      } {sc.loop_unroll_factor = 8 : i64, sc.parallel_access}
      %dma_start3A_167 = arith.constant 2 : i32
      %dma_start3A_168 = arith.constant 0 : i32
      %dma_start3A_169 = tpu.memref_slice %arg4[%add3A_154, %dma_start3A_168] : memref<819200x128xf32, #tpu.memory_space<hbm>> -> memref<128x128xf32, #tpu.memory_space<hbm>>
      %dma_start3A_170 = tpu.memref_slice %arg12[%dma_start3A_167] : memref<4x!tpu.dma_semaphore, #tpu.memory_space<semaphore_mem>> -> memref<1x!tpu.dma_semaphore, #tpu.memory_space<semaphore_mem>>
      %dma_start3A_171 = tpu.memref_squeeze %dma_start3A_170 : memref<1x!tpu.dma_semaphore, #tpu.memory_space<semaphore_mem>> -> memref<!tpu.dma_semaphore, #tpu.memory_space<semaphore_mem>>
      %dma_start3A_172 = arith.constant 0 : i32
      %dma_start3A_173 = tpu.memref_slice %arg4[%add3A_154, %dma_start3A_172] : memref<819200x128xf32, #tpu.memory_space<hbm>> -> memref<128x128xf32, #tpu.memory_space<hbm>>
      tpu.enqueue_dma source(%arg8 : memref<128x128xf32, #tpu.memory_space<vmem>>) target(%dma_start3A_173 : memref<128x128xf32, #tpu.memory_space<hbm>>) target_semaphore(%dma_start3A_171 : memref<!tpu.dma_semaphore, #tpu.memory_space<semaphore_mem>>)
      %sub3A_174 = arith.constant 2 : i32
      %sub3A_175 = arith.subi %add3A_151, %sub3A_174 : i32
      %ge3A_176 = arith.constant 0 : i32
      %ge3A_177 = arith.cmpi sge, %sub3A_175, %ge3A_176 : i32
      %add3A_178 = arith.constant 4 : i32
      %add3A_179 = arith.addi %sub3A_175, %add3A_178 : i32
      %lt3A_180 = arith.constant 200 : i32
      %lt3A_181 = arith.cmpi slt, %add3A_179, %lt3A_180 : i32
      %and3A_182 = arith.andi %ge3A_177, %lt3A_181 : i1
      %convert_element_type3A_183 = arith.extui %and3A_182 : i1 to i32
      %cond3A_184 = arith.constant 0 : i32
      %cond3A_185 = arith.cmpi ne, %convert_element_type3A_183, %cond3A_184 : i32
      scf.if %cond3A_185 {
        %mul3A_224 = arith.constant 128 : i32
        %mul3A_225 = arith.muli %sub3A_175, %mul3A_224 : i32
        %add3A_226 = arith.addi %mul3A_2, %mul3A_225 : i32
        %dma_wait3A_227 = arith.constant 0 : i32
        %dma_wait3A_228 = arith.constant 0 : i32
        %dma_wait3A_229 = tpu.memref_slice %arg4[%add3A_226, %dma_wait3A_228] : memref<819200x128xf32, #tpu.memory_space<hbm>> -> memref<128x128xf32, #tpu.memory_space<hbm>>
        %dma_wait3A_230 = tpu.memref_slice %arg12[%dma_wait3A_227] : memref<4x!tpu.dma_semaphore, #tpu.memory_space<semaphore_mem>> -> memref<1x!tpu.dma_semaphore, #tpu.memory_space<semaphore_mem>>
        %dma_wait3A_231 = tpu.memref_squeeze %dma_wait3A_230 : memref<1x!tpu.dma_semaphore, #tpu.memory_space<semaphore_mem>> -> memref<!tpu.dma_semaphore, #tpu.memory_space<semaphore_mem>>
        %dma_wait3A_232 = arith.constant 0 : i32
        %dma_wait3A_233 = tpu.memref_slice %arg4[%add3A_226, %dma_wait3A_232] : memref<819200x128xf32, #tpu.memory_space<hbm>> -> memref<128x128xf32, #tpu.memory_space<hbm>>
        tpu.wait_dma2 semaphore(%dma_wait3A_231 : memref<!tpu.dma_semaphore, #tpu.memory_space<semaphore_mem>>) src(%arg6 : memref<128x128xf32, #tpu.memory_space<vmem>>) dst(%dma_wait3A_233 : memref<128x128xf32, #tpu.memory_space<hbm>>)
        %add3A_234 = arith.constant 4 : i32
        %add3A_235 = arith.addi %sub3A_175, %add3A_234 : i32
        %mul3A_236 = arith.constant 128 : i32
        %mul3A_237 = arith.muli %add3A_235, %mul3A_236 : i32
        %dma_start3A_238 = arith.constant 0 : i32
        %dma_start3A_239 = tpu.memref_slice %arg5[%mul3A_237] : memref<25600xi32, #tpu.memory_space<vmem>> -> memref<128xi32, #tpu.memory_space<vmem>>
        %dma_start3A_240 = arith.constant 0 : i32
        %dma_start3A_241 = arith.constant 0 : i32
        %dma_start3A_242 = tpu.memref_slice %arg3[%dma_start3A_240, %dma_start3A_241] : memref<1000000x128xf32, #tpu.memory_space<hbm>> -> memref<1000000x128xf32, #tpu.memory_space<hbm>>
        %dma_start3A_243 = tpu.memref_slice %arg11[%dma_start3A_238] : memref<4x!tpu.dma_semaphore, #tpu.memory_space<semaphore_mem>> -> memref<1x!tpu.dma_semaphore, #tpu.memory_space<semaphore_mem>>
        %dma_start3A_244 = tpu.memref_squeeze %dma_start3A_243 : memref<1x!tpu.dma_semaphore, #tpu.memory_space<semaphore_mem>> -> memref<!tpu.dma_semaphore, #tpu.memory_space<semaphore_mem>>
        tpu.enqueue_indirect_dma source(%dma_start3A_242 : memref<1000000x128xf32, #tpu.memory_space<hbm>>) target(%arg6 : memref<128x128xf32, #tpu.memory_space<vmem>>) offsets(%dma_start3A_239 : memref<128xi32, #tpu.memory_space<vmem>>) semaphore(%dma_start3A_244 : memref<!tpu.dma_semaphore, #tpu.memory_space<semaphore_mem>>)
      } else {
      }
      %mul3A_186 = arith.constant 4 : i32
      %mul3A_187 = arith.muli %scan3A_78, %mul3A_186 : i32
      %add3A_188 = arith.constant 3 : i32
      %add3A_189 = arith.addi %mul3A_187, %add3A_188 : i32
      %mul3A_190 = arith.constant 128 : i32
      %mul3A_191 = arith.muli %add3A_189, %mul3A_190 : i32
      %add3A_192 = arith.addi %mul3A_2, %mul3A_191 : i32
      %mul3A_193 = arith.constant 128 : i32
      %mul3A_194 = arith.muli %add3A_189, %mul3A_193 : i32
      %dma_wait3A_195 = arith.constant 3 : i32
      %dma_wait3A_196 = tpu.memref_slice %arg5[%mul3A_194] : memref<25600xi32, #tpu.memory_space<vmem>> -> memref<128xi32, #tpu.memory_space<vmem>>
      %dma_wait3A_197 = arith.constant 0 : i32
      %dma_wait3A_198 = arith.constant 0 : i32
      %dma_wait3A_199 = tpu.memref_slice %arg3[%dma_wait3A_197, %dma_wait3A_198] : memref<1000000x128xf32, #tpu.memory_space<hbm>> -> memref<1000000x128xf32, #tpu.memory_space<hbm>>
      %dma_wait3A_200 = tpu.memref_slice %arg11[%dma_wait3A_195] : memref<4x!tpu.dma_semaphore, #tpu.memory_space<semaphore_mem>> -> memref<1x!tpu.dma_semaphore, #tpu.memory_space<semaphore_mem>>
      %dma_wait3A_201 = tpu.memref_squeeze %dma_wait3A_200 : memref<1x!tpu.dma_semaphore, #tpu.memory_space<semaphore_mem>> -> memref<!tpu.dma_semaphore, #tpu.memory_space<semaphore_mem>>
      tpu.wait_indirect_dma semaphore(%dma_wait3A_201 : memref<!tpu.dma_semaphore, #tpu.memory_space<semaphore_mem>>) src(%dma_wait3A_199 : memref<1000000x128xf32, #tpu.memory_space<hbm>>) dst(%arg9 : memref<128x128xf32, #tpu.memory_space<vmem>>)
      %parallel_loop3A_202 = arith.constant 0 : i32
      %parallel_loop3A_203 = arith.constant 128 : i32
      %parallel_loop3A_204 = arith.constant 1 : i32
      scf.for %parallel_loop3A_224 = %parallel_loop3A_202 to %parallel_loop3A_203 step %parallel_loop3A_204  : i32 {
        %parallel_loop3A_225 = arith.index_cast %parallel_loop3A_224 : i32 to index
        %parallel_loop3A_226 = arith.constant 0 : index
        %parallel_loop3A_227 = tpu.vector_load %arg9[%parallel_loop3A_225, %parallel_loop3A_226] {strides = array<i32>} : memref<128x128xf32, #tpu.memory_space<vmem>>, vector<1x16xf32>,
        %parallel_loop3A_228 = vector.shape_cast %parallel_loop3A_227 : vector<1x16xf32> to vector<16xf32>
        %parallel_loop3A_229 = arith.constant 8.000000e+00 : f32
        %parallel_loop3A_230 = vector.broadcast %parallel_loop3A_229 : f32 to vector<16xf32>
        %parallel_loop3A_231 = arith.mulf %parallel_loop3A_228, %parallel_loop3A_230 : vector<16xf32>
        %parallel_loop3A_232 = arith.index_cast %parallel_loop3A_224 : i32 to index
        %parallel_loop3A_233 = arith.constant 0 : index
        %parallel_loop3A_234 = tpu.vector_load %arg9[%parallel_loop3A_232, %parallel_loop3A_233] {strides = array<i32>} : memref<128x128xf32, #tpu.memory_space<vmem>>, vector<1x16xf32>,
        %parallel_loop3A_235 = vector.shape_cast %parallel_loop3A_234 : vector<1x16xf32> to vector<16xf32>
        %parallel_loop3A_236 = vector.shape_cast %parallel_loop3A_231 : vector<16xf32> to vector<1x16xf32>
        tpu.vector_store %arg9[%parallel_loop3A_232, %parallel_loop3A_233], %parallel_loop3A_236 {strides = array<i32>} : memref<128x128xf32, #tpu.memory_space<vmem>>, vector<1x16xf32>,
        %parallel_loop3A_237 = arith.index_cast %parallel_loop3A_224 : i32 to index
        %parallel_loop3A_238 = arith.constant 16 : index
        %parallel_loop3A_239 = tpu.vector_load %arg9[%parallel_loop3A_237, %parallel_loop3A_238] {strides = array<i32>} : memref<128x128xf32, #tpu.memory_space<vmem>>, vector<1x16xf32>,
        %parallel_loop3A_240 = vector.shape_cast %parallel_loop3A_239 : vector<1x16xf32> to vector<16xf32>
        %parallel_loop3A_241 = arith.constant 8.000000e+00 : f32
        %parallel_loop3A_242 = vector.broadcast %parallel_loop3A_241 : f32 to vector<16xf32>
        %parallel_loop3A_243 = arith.mulf %parallel_loop3A_240, %parallel_loop3A_242 : vector<16xf32>
        %parallel_loop3A_244 = arith.index_cast %parallel_loop3A_224 : i32 to index
        %parallel_loop3A_245 = arith.constant 16 : index
        %parallel_loop3A_246 = tpu.vector_load %arg9[%parallel_loop3A_244, %parallel_loop3A_245] {strides = array<i32>} : memref<128x128xf32, #tpu.memory_space<vmem>>, vector<1x16xf32>,
        %parallel_loop3A_247 = vector.shape_cast %parallel_loop3A_246 : vector<1x16xf32> to vector<16xf32>
        %parallel_loop3A_248 = vector.shape_cast %parallel_loop3A_243 : vector<16xf32> to vector<1x16xf32>
        tpu.vector_store %arg9[%parallel_loop3A_244, %parallel_loop3A_245], %parallel_loop3A_248 {strides = array<i32>} : memref<128x128xf32, #tpu.memory_space<vmem>>, vector<1x16xf32>,
        %parallel_loop3A_249 = arith.index_cast %parallel_loop3A_224 : i32 to index
        %parallel_loop3A_250 = arith.constant 32 : index
        %parallel_loop3A_251 = tpu.vector_load %arg9[%parallel_loop3A_249, %parallel_loop3A_250] {strides = array<i32>} : memref<128x128xf32, #tpu.memory_space<vmem>>, vector<1x16xf32>,
        %parallel_loop3A_252 = vector.shape_cast %parallel_loop3A_251 : vector<1x16xf32> to vector<16xf32>
        %parallel_loop3A_253 = arith.constant 8.000000e+00 : f32
        %parallel_loop3A_254 = vector.broadcast %parallel_loop3A_253 : f32 to vector<16xf32>
        %parallel_loop3A_255 = arith.mulf %parallel_loop3A_252, %parallel_loop3A_254 : vector<16xf32>
        %parallel_loop3A_256 = arith.index_cast %parallel_loop3A_224 : i32 to index
        %parallel_loop3A_257 = arith.constant 32 : index
        %parallel_loop3A_258 = tpu.vector_load %arg9[%parallel_loop3A_256, %parallel_loop3A_257] {strides = array<i32>} : memref<128x128xf32, #tpu.memory_space<vmem>>, vector<1x16xf32>,
        %parallel_loop3A_259 = vector.shape_cast %parallel_loop3A_258 : vector<1x16xf32> to vector<16xf32>
        %parallel_loop3A_260 = vector.shape_cast %parallel_loop3A_255 : vector<16xf32> to vector<1x16xf32>
        tpu.vector_store %arg9[%parallel_loop3A_256, %parallel_loop3A_257], %parallel_loop3A_260 {strides = array<i32>} : memref<128x128xf32, #tpu.memory_space<vmem>>, vector<1x16xf32>,
        %parallel_loop3A_261 = arith.index_cast %parallel_loop3A_224 : i32 to index
        %parallel_loop3A_262 = arith.constant 48 : index
        %parallel_loop3A_263 = tpu.vector_load %arg9[%parallel_loop3A_261, %parallel_loop3A_262] {strides = array<i32>} : memref<128x128xf32, #tpu.memory_space<vmem>>, vector<1x16xf32>,
        %parallel_loop3A_264 = vector.shape_cast %parallel_loop3A_263 : vector<1x16xf32> to vector<16xf32>
        %parallel_loop3A_265 = arith.constant 8.000000e+00 : f32
        %parallel_loop3A_266 = vector.broadcast %parallel_loop3A_265 : f32 to vector<16xf32>
        %parallel_loop3A_267 = arith.mulf %parallel_loop3A_264, %parallel_loop3A_266 : vector<16xf32>
        %parallel_loop3A_268 = arith.index_cast %parallel_loop3A_224 : i32 to index
        %parallel_loop3A_269 = arith.constant 48 : index
        %parallel_loop3A_270 = tpu.vector_load %arg9[%parallel_loop3A_268, %parallel_loop3A_269] {strides = array<i32>} : memref<128x128xf32, #tpu.memory_space<vmem>>, vector<1x16xf32>,
        %parallel_loop3A_271 = vector.shape_cast %parallel_loop3A_270 : vector<1x16xf32> to vector<16xf32>
        %parallel_loop3A_272 = vector.shape_cast %parallel_loop3A_267 : vector<16xf32> to vector<1x16xf32>
        tpu.vector_store %arg9[%parallel_loop3A_268, %parallel_loop3A_269], %parallel_loop3A_272 {strides = array<i32>} : memref<128x128xf32, #tpu.memory_space<vmem>>, vector<1x16xf32>,
      } {sc.loop_unroll_factor = 8 : i64, sc.parallel_access}
      %dma_start3A_205 = arith.constant 3 : i32
      %dma_start3A_206 = arith.constant 0 : i32
      %dma_start3A_207 = tpu.memref_slice %arg4[%add3A_192, %dma_start3A_206] : memref<819200x128xf32, #tpu.memory_space<hbm>> -> memref<128x128xf32, #tpu.memory_space<hbm>>
      %dma_start3A_208 = tpu.memref_slice %arg12[%dma_start3A_205] : memref<4x!tpu.dma_semaphore, #tpu.memory_space<semaphore_mem>> -> memref<1x!tpu.dma_semaphore, #tpu.memory_space<semaphore_mem>>
      %dma_start3A_209 = tpu.memref_squeeze %dma_start3A_208 : memref<1x!tpu.dma_semaphore, #tpu.memory_space<semaphore_mem>> -> memref<!tpu.dma_semaphore, #tpu.memory_space<semaphore_mem>>
      %dma_start3A_210 = arith.constant 0 : i32
      %dma_start3A_211 = tpu.memref_slice %arg4[%add3A_192, %dma_start3A_210] : memref<819200x128xf32, #tpu.memory_space<hbm>> -> memref<128x128xf32, #tpu.memory_space<hbm>>
      tpu.enqueue_dma source(%arg9 : memref<128x128xf32, #tpu.memory_space<vmem>>) target(%dma_start3A_211 : memref<128x128xf32, #tpu.memory_space<hbm>>) target_semaphore(%dma_start3A_209 : memref<!tpu.dma_semaphore, #tpu.memory_space<semaphore_mem>>)
      %sub3A_212 = arith.constant 2 : i32
      %sub3A_213 = arith.subi %add3A_189, %sub3A_212 : i32
      %ge3A_214 = arith.constant 0 : i32
      %ge3A_215 = arith.cmpi sge, %sub3A_213, %ge3A_214 : i32
      %add3A_216 = arith.constant 4 : i32
      %add3A_217 = arith.addi %sub3A_213, %add3A_216 : i32
      %lt3A_218 = arith.constant 200 : i32
      %lt3A_219 = arith.cmpi slt, %add3A_217, %lt3A_218 : i32
      %and3A_220 = arith.andi %ge3A_215, %lt3A_219 : i1
      %convert_element_type3A_221 = arith.extui %and3A_220 : i1 to i32
      %cond3A_222 = arith.constant 0 : i32
      %cond3A_223 = arith.cmpi ne, %convert_element_type3A_221, %cond3A_222 : i32
      scf.if %cond3A_223 {
        %mul3A_224 = arith.constant 128 : i32
        %mul3A_225 = arith.muli %sub3A_213, %mul3A_224 : i32
        %add3A_226 = arith.addi %mul3A_2, %mul3A_225 : i32
        %dma_wait3A_227 = arith.constant 1 : i32
        %dma_wait3A_228 = arith.constant 0 : i32
        %dma_wait3A_229 = tpu.memref_slice %arg4[%add3A_226, %dma_wait3A_228] : memref<819200x128xf32, #tpu.memory_space<hbm>> -> memref<128x128xf32, #tpu.memory_space<hbm>>
        %dma_wait3A_230 = tpu.memref_slice %arg12[%dma_wait3A_227] : memref<4x!tpu.dma_semaphore, #tpu.memory_space<semaphore_mem>> -> memref<1x!tpu.dma_semaphore, #tpu.memory_space<semaphore_mem>>
        %dma_wait3A_231 = tpu.memref_squeeze %dma_wait3A_230 : memref<1x!tpu.dma_semaphore, #tpu.memory_space<semaphore_mem>> -> memref<!tpu.dma_semaphore, #tpu.memory_space<semaphore_mem>>
        %dma_wait3A_232 = arith.constant 0 : i32
        %dma_wait3A_233 = tpu.memref_slice %arg4[%add3A_226, %dma_wait3A_232] : memref<819200x128xf32, #tpu.memory_space<hbm>> -> memref<128x128xf32, #tpu.memory_space<hbm>>
        tpu.wait_dma2 semaphore(%dma_wait3A_231 : memref<!tpu.dma_semaphore, #tpu.memory_space<semaphore_mem>>) src(%arg7 : memref<128x128xf32, #tpu.memory_space<vmem>>) dst(%dma_wait3A_233 : memref<128x128xf32, #tpu.memory_space<hbm>>)
        %add3A_234 = arith.constant 4 : i32
        %add3A_235 = arith.addi %sub3A_213, %add3A_234 : i32
        %mul3A_236 = arith.constant 128 : i32
        %mul3A_237 = arith.muli %add3A_235, %mul3A_236 : i32
        %dma_start3A_238 = arith.constant 1 : i32
        %dma_start3A_239 = tpu.memref_slice %arg5[%mul3A_237] : memref<25600xi32, #tpu.memory_space<vmem>> -> memref<128xi32, #tpu.memory_space<vmem>>
        %dma_start3A_240 = arith.constant 0 : i32
        %dma_start3A_241 = arith.constant 0 : i32
        %dma_start3A_242 = tpu.memref_slice %arg3[%dma_start3A_240, %dma_start3A_241] : memref<1000000x128xf32, #tpu.memory_space<hbm>> -> memref<1000000x128xf32, #tpu.memory_space<hbm>>
        %dma_start3A_243 = tpu.memref_slice %arg11[%dma_start3A_238] : memref<4x!tpu.dma_semaphore, #tpu.memory_space<semaphore_mem>> -> memref<1x!tpu.dma_semaphore, #tpu.memory_space<semaphore_mem>>
        %dma_start3A_244 = tpu.memref_squeeze %dma_start3A_243 : memref<1x!tpu.dma_semaphore, #tpu.memory_space<semaphore_mem>> -> memref<!tpu.dma_semaphore, #tpu.memory_space<semaphore_mem>>
        tpu.enqueue_indirect_dma source(%dma_start3A_242 : memref<1000000x128xf32, #tpu.memory_space<hbm>>) target(%arg7 : memref<128x128xf32, #tpu.memory_space<vmem>>) offsets(%dma_start3A_239 : memref<128xi32, #tpu.memory_space<vmem>>) semaphore(%dma_start3A_244 : memref<!tpu.dma_semaphore, #tpu.memory_space<semaphore_mem>>)
      } else {
      }
    }
    %scan3A_41 = arith.constant 50 : i32
    %add3A_42 = arith.constant 25088 : i32
    %add3A_43 = arith.addi %mul3A_2, %add3A_42 : i32
    %dma_wait3A_44 = arith.constant 0 : i32
    %dma_wait3A_45 = arith.constant 0 : i32
    %dma_wait3A_46 = tpu.memref_slice %arg4[%add3A_43, %dma_wait3A_45] : memref<819200x128xf32, #tpu.memory_space<hbm>> -> memref<128x128xf32, #tpu.memory_space<hbm>>
    %dma_wait3A_47 = tpu.memref_slice %arg12[%dma_wait3A_44] : memref<4x!tpu.dma_semaphore, #tpu.memory_space<semaphore_mem>> -> memref<1x!tpu.dma_semaphore, #tpu.memory_space<semaphore_mem>>
    %dma_wait3A_48 = tpu.memref_squeeze %dma_wait3A_47 : memref<1x!tpu.dma_semaphore, #tpu.memory_space<semaphore_mem>> -> memref<!tpu.dma_semaphore, #tpu.memory_space<semaphore_mem>>
    %dma_wait3A_49 = arith.constant 0 : i32
    %dma_wait3A_50 = tpu.memref_slice %arg4[%add3A_43, %dma_wait3A_49] : memref<819200x128xf32, #tpu.memory_space<hbm>> -> memref<128x128xf32, #tpu.memory_space<hbm>>
    tpu.wait_dma2 semaphore(%dma_wait3A_48 : memref<!tpu.dma_semaphore, #tpu.memory_space<semaphore_mem>>) src(%arg6 : memref<128x128xf32, #tpu.memory_space<vmem>>) dst(%dma_wait3A_50 : memref<128x128xf32, #tpu.memory_space<hbm>>)
    %add3A_51 = arith.constant 25216 : i32
    %add3A_52 = arith.addi %mul3A_2, %add3A_51 : i32
    %dma_wait3A_53 = arith.constant 1 : i32
    %dma_wait3A_54 = arith.constant 0 : i32
    %dma_wait3A_55 = tpu.memref_slice %arg4[%add3A_52, %dma_wait3A_54] : memref<819200x128xf32, #tpu.memory_space<hbm>> -> memref<128x128xf32, #tpu.memory_space<hbm>>
    %dma_wait3A_56 = tpu.memref_slice %arg12[%dma_wait3A_53] : memref<4x!tpu.dma_semaphore, #tpu.memory_space<semaphore_mem>> -> memref<1x!tpu.dma_semaphore, #tpu.memory_space<semaphore_mem>>
    %dma_wait3A_57 = tpu.memref_squeeze %dma_wait3A_56 : memref<1x!tpu.dma_semaphore, #tpu.memory_space<semaphore_mem>> -> memref<!tpu.dma_semaphore, #tpu.memory_space<semaphore_mem>>
    %dma_wait3A_58 = arith.constant 0 : i32
    %dma_wait3A_59 = tpu.memref_slice %arg4[%add3A_52, %dma_wait3A_58] : memref<819200x128xf32, #tpu.memory_space<hbm>> -> memref<128x128xf32, #tpu.memory_space<hbm>>
    tpu.wait_dma2 semaphore(%dma_wait3A_57 : memref<!tpu.dma_semaphore, #tpu.memory_space<semaphore_mem>>) src(%arg7 : memref<128x128xf32, #tpu.memory_space<vmem>>) dst(%dma_wait3A_59 : memref<128x128xf32, #tpu.memory_space<hbm>>)
    %add3A_60 = arith.constant 25344 : i32
    %add3A_61 = arith.addi %mul3A_2, %add3A_60 : i32
    %dma_wait3A_62 = arith.constant 2 : i32
    %dma_wait3A_63 = arith.constant 0 : i32
    %dma_wait3A_64 = tpu.memref_slice %arg4[%add3A_61, %dma_wait3A_63] : memref<819200x128xf32, #tpu.memory_space<hbm>> -> memref<128x128xf32, #tpu.memory_space<hbm>>
    %dma_wait3A_65 = tpu.memref_slice %arg12[%dma_wait3A_62] : memref<4x!tpu.dma_semaphore, #tpu.memory_space<semaphore_mem>> -> memref<1x!tpu.dma_semaphore, #tpu.memory_space<semaphore_mem>>
    %dma_wait3A_66 = tpu.memref_squeeze %dma_wait3A_65 : memref<1x!tpu.dma_semaphore, #tpu.memory_space<semaphore_mem>> -> memref<!tpu.dma_semaphore, #tpu.memory_space<semaphore_mem>>
    %dma_wait3A_67 = arith.constant 0 : i32
    %dma_wait3A_68 = tpu.memref_slice %arg4[%add3A_61, %dma_wait3A_67] : memref<819200x128xf32, #tpu.memory_space<hbm>> -> memref<128x128xf32, #tpu.memory_space<hbm>>
    tpu.wait_dma2 semaphore(%dma_wait3A_66 : memref<!tpu.dma_semaphore, #tpu.memory_space<semaphore_mem>>) src(%arg8 : memref<128x128xf32, #tpu.memory_space<vmem>>) dst(%dma_wait3A_68 : memref<128x128xf32, #tpu.memory_space<hbm>>)
    %add3A_69 = arith.constant 25472 : i32
    %add3A_70 = arith.addi %mul3A_2, %add3A_69 : i32
    %dma_wait3A_71 = arith.constant 3 : i32
    %dma_wait3A_72 = arith.constant 0 : i32
    %dma_wait3A_73 = tpu.memref_slice %arg4[%add3A_70, %dma_wait3A_72] : memref<819200x128xf32, #tpu.memory_space<hbm>> -> memref<128x128xf32, #tpu.memory_space<hbm>>
    %dma_wait3A_74 = tpu.memref_slice %arg12[%dma_wait3A_71] : memref<4x!tpu.dma_semaphore, #tpu.memory_space<semaphore_mem>> -> memref<1x!tpu.dma_semaphore, #tpu.memory_space<semaphore_mem>>
    %dma_wait3A_75 = tpu.memref_squeeze %dma_wait3A_74 : memref<1x!tpu.dma_semaphore, #tpu.memory_space<semaphore_mem>> -> memref<!tpu.dma_semaphore, #tpu.memory_space<semaphore_mem>>
    %dma_wait3A_76 = arith.constant 0 : i32
    %dma_wait3A_77 = tpu.memref_slice %arg4[%add3A_70, %dma_wait3A_76] : memref<819200x128xf32, #tpu.memory_space<hbm>> -> memref<128x128xf32, #tpu.memory_space<hbm>>
    tpu.wait_dma2 semaphore(%dma_wait3A_75 : memref<!tpu.dma_semaphore, #tpu.memory_space<semaphore_mem>>) src(%arg9 : memref<128x128xf32, #tpu.memory_space<vmem>>) dst(%dma_wait3A_77 : memref<128x128xf32, #tpu.memory_space<hbm>>)
    return
  }
}

</mosaic_0001>

<sc_bundles>
// kernel: _embed.3.cloned.1.call-start
scs
__scs_entry_jumppad:
0x0: {  	(pc) =	sbr.rel $0x88, $3  }
0x1: {  	(tag) =	ssettag $0x0;
	lr =	simm.s32 $0x1  }
0x2: {  	[smem:$0x3F9F] =	sst lr;
	_ =	strace $0xD0000000  }
0x3: {  	_ = 	snop  }
0x4: {  	_ = 	snop  }
0x5: {  	_ = 	snop  }
0x6: {  	_ = 	snop  }
0x7: {  	_ = 	snop  }
__scs_overlays_trampoline_lowered:
0x8: {  	[smem:$0x3FAE] =	sst s0  }
0x9: {  	[smem:$0x3FAF] =	sst s1  }
0xa: {  	[smem:$0x3FB0] =	sst s2  }
0xb: {  	[smem:$0x3FB1] =	sst s3  }
0xc: {  	[smem:$0x3FB2] =	sst s4  }
0xd: {  	[smem:$0x3FB3] =	sst s5  }
0xe: {  	[smem:$0x3FB4] =	sst s6  }
0xf: {  	[smem:$0x3FB5] =	sst s7  }
0x10: {  	[smem:$0x3FB6] =	sst s8  }
0x11: {  	[smem:$0x3FB7] =	sst s9;
	s0 =	simm.s32 @!p0 $0x0  }
0x12: {  	s1 =	sld [smem:$0x3F9D];
	s0 =	simm.s32 @p0 $0x1  }
0x13: {  	[smem:$0x3FB8] =	sst s0;
	s0 =	simm.s32 @!p1 $0x0  }
0x14: {  	s2 =	sld [smem:$0x3F9C];
	s0 =	simm.s32 @p1 $0x1  }
0x15: {  	[smem:$0x3FB9] =	sst s0;
	s0 =	simm.s32 @!p2 $0x0  }
0x16: {  	s3 =	sld [smem:$0x3FDB];
	s0 =	simm.s32 @p2 $0x1  }
0x17: {  	s4 =	simm.s32 $0x1BF5;
	[smem:$0x3FBB] =	sst s0  }
0x18: {  	s0 =	sld [smem:$0x3F9E];
	_ =	swait.ge [sflag:s4], $0x0  }
0x19: {  	s7 =	sld [smem:$0x3F9F]  }
0x1a: {  	s8 =	sadd.s32 $0xFFFFE003, lr  }
0x1b: {  	s9 =	sadd.s32 $0xFFFFFEF7, lr;
	s5 =	simm.s32 $0xFFFFFFFF;
	p2 =	slt.u32 s8, $0xFFFFF086  }
0x1c: {  	p1 =	slt.u32 s9, $0xF7A;
	s5 =	simm.s32 @!p2 $0x0  }
0x1d: {  	s5 =	simm.s32 @p1 $0x1;
	p0 =	seq.s32 s7, s2  }
0x1e: {  	s7 =	smul.u32 @!p0 $0xF7A, s2;
	p2 =	seq.s32 @!p0 s5, $0x0  }
0x1f: {  	s9 =	smul.u32 $0xF7A, s1;
	s8 =	simm.s32 @!p0 $0x1BF5;
	p2 =	por !p2, p0  }
0x20: {  	[sflag:s8] =	ssyncset.s32 @!p0 $0xFFFFF086;
	s6 =	sadd.s32 @!p0 s3, s7;
	s7 =	simm.s32 @!p0 $0x108  }
0x21: {  	s3 =	sadd.s32 s3, s9;
	s6 =	sadd.s32 @!p0 $0x88, s6;
	s7 =	simm.s32 @p2 $0x1082  }
0x22: {  	[simem:s7], [sflag:s8] =	dma.local @!p0 [hbm:s6], $0xF7A  }
0x23: {  	s9 =	sor.u32 $0xD0000000, s2;
	s6 =	simm.s32 $0x108;
	_ =	swait.ge @!p0 [sflag:s8], $0x0  }
0x24: {  	s3 =	sadd.s32 $0x88, s3;
	s6 =	simm.s32 @!p1 $0x1082;
	[sflag:s4] =	ssyncset.s32 $0xFFFFF086  }
0x25: {  	[simem:s6], [sflag:s4] =	dma.local [hbm:s3], $0xF7A  }
0x26: {  	[smem:$0x3F9F] =	sst s1;
	(tag) =	ssettag s2;
	_ =	strace s9  }
0x27: {  	s1 =	sld [smem:$0x3FAF]  }
0x28: {  	s2 =	sld [smem:$0x3FB0]  }
0x29: {  	s4 =	sld [smem:$0x3FB2]  }
0x2a: {  	p0 =	seq.s32 s5, $0x0;
	s5 =	sld [smem:$0x3FB3]  }
0x2b: {  	s6 =	sld [smem:$0x3FB4]  }
0x2c: {  	s7 =	sld [smem:$0x3FB5]  }
0x2d: {  	s3 =	simm.s32 $0x108;
	s8 =	sld [smem:$0x3FB6]  }
0x2e: {  	s3 =	simm.s32 @!p0 $0x1082;
	s9 =	sld [smem:$0x3FB7]  }
0x2f: {  	lr =	sadd.s32 s0, s3;
	s0 =	sld [smem:$0x3FAE]  }
0x30: {  	s3 =	sld [smem:$0x3FB1]  }
0x31: {  	[smem:$0x3FBA] =	sst s10  }
0x32: {  	s10 =	sld [smem:$0x3FB8];
	_ =	sdelay $0x3  }
0x33: {  	p0 =	seq.s32 s10, $0x1;
	s10 =	sld [smem:$0x3FBA];
	_ =	sdelay $0x3  }
0x34: {  	[smem:$0x3FBA] =	sst s10  }
0x35: {  	s10 =	sld [smem:$0x3FB9];
	_ =	sdelay $0x3  }
0x36: {  	p1 =	seq.s32 s10, $0x1;
	s10 =	sld [smem:$0x3FBA];
	_ =	sdelay $0x3  }
0x37: {  	[smem:$0x3FBA] =	sst s10  }
0x38: {  	s10 =	sld [smem:$0x3FBB]  }
0x39: {  	_ = 	snop;
	(pc) =	sbr.ind lr, $3  }
0x3a: {  	_ = 	snop  }
0x3b: {  	_ = 	snop  }
0x3c: {  	p2 =	seq.s32 s10, $0x1;
	s10 =	sld [smem:$0x3FBA]  }
0x3d: {  	_ =	shalt  }
0x3e: {  	_ =	shalt  }
0x3f: {  	_ =	shalt  }
0x40: {  	_ =	shalt  }
0x41: {  	_ =	shalt  }
0x42: {  	_ =	shalt  }
0x43: {  	_ =	shalt  }
0x44: {  	_ =	shalt  }
0x45: {  	_ =	shalt  }
0x46: {  	_ =	shalt  }
0x47: {  	_ =	shalt  }
0x48: {  	_ =	shalt  }
0x49: {  	_ =	shalt  }
0x4a: {  	_ =	shalt  }
0x4b: {  	_ =	shalt  }
0x4c: {  	_ =	shalt  }
0x4d: {  	_ =	shalt  }
0x4e: {  	_ =	shalt  }
0x4f: {  	_ =	shalt  }
0x50: {  	_ =	shalt  }
0x51: {  	_ =	shalt  }
0x52: {  	_ =	shalt  }
0x53: {  	_ =	shalt  }
0x54: {  	_ =	shalt  }
0x55: {  	_ =	shalt  }
0x56: {  	_ =	shalt  }
0x57: {  	_ =	shalt  }
0x58: {  	_ =	shalt  }
0x59: {  	_ =	shalt  }
0x5a: {  	_ =	shalt  }
0x5b: {  	_ =	shalt  }
0x5c: {  	_ =	shalt  }
0x5d: {  	_ =	shalt  }
0x5e: {  	_ =	shalt  }
0x5f: {  	_ =	shalt  }
0x60: {  	_ =	shalt  }
0x61: {  	_ =	shalt  }
0x62: {  	_ =	shalt  }
0x63: {  	_ =	shalt  }
0x64: {  	_ =	shalt  }
0x65: {  	_ =	shalt  }
0x66: {  	_ =	shalt  }
0x67: {  	_ =	shalt  }
0x68: {  	_ =	shalt  }
0x69: {  	_ =	shalt  }
0x6a: {  	_ =	shalt  }
0x6b: {  	_ =	shalt  }
0x6c: {  	_ =	shalt  }
0x6d: {  	_ =	shalt  }
0x6e: {  	_ =	shalt  }
0x6f: {  	_ =	shalt  }
0x70: {  	_ =	shalt  }
0x71: {  	_ =	shalt  }
0x72: {  	_ =	shalt  }
0x73: {  	_ =	shalt  }
0x74: {  	_ =	shalt  }
0x75: {  	_ =	shalt  }
0x76: {  	_ =	shalt  }
0x77: {  	_ =	shalt  }
0x78: {  	_ =	shalt  }
0x79: {  	_ =	shalt  }
0x7a: {  	_ =	shalt  }
0x7b: {  	_ =	shalt  }
0x7c: {  	_ =	shalt  }
0x7d: {  	_ =	shalt  }
0x7e: {  	_ =	shalt  }
0x7f: {  	_ =	shalt  }
0x80: {  	_ =	shalt  }
0x81: {  	_ =	shalt  }
0x82: {  	_ =	shalt  }
0x83: {  	_ =	shalt  }
0x84: {  	_ =	shalt  }
0x85: {  	_ =	shalt  }
0x86: {  	_ =	shalt  }
0x87: {  	_ =	shalt  }
.Lfunc_end0:
.L_simem_size_0:
called_computation_lowered:
.L_overlay_start_0:
0x88: {  	s2 =	sld [smem:$0x3FD9]  }
0x89: {  	s3 =	sld [smem:$0x3FFE];
	_ =	sdelay $0x1  }
0x8a: {  	s1 =	srdreg.scid  }
0x8b: {  	s0 =	sand.u32 $0x1, s1  }
0x8c: {  	s18 =	sshll.u32 s0, $0xA;
	s2 =	sadd.s32 s3, s2  }
0x8d: {  	s2 =	sadd.s32 s2, s18  }
0x8e: {  	[smem:$0x3FC6] =	sst s2  }
0x8f: {  	_ = 	snop  }
0x90: {  	s2 =	sld [smem:$0x3FC9]  }
0x91: {  	s19 =	sld [smem:$0x3FC8]  }
0x92: {  	s4 =	sld [smem:$0x3FD0];
	(tm) =	ssettm $0x1  }
0x93: {  	s5 =	sld [smem:$0x3FFB];
	_ =	sdelay $0x3  }
0x94: {  	_ =	strace s5  }
0x95: {  	s5 =	sld [smem:$0x3FFC];
	_ =	sdelay $0x3  }
0x96: {  	_ =	strace s5  }
0x97: {  	s5 =	sld [smem:$0x3FFD];
	_ =	sdelay $0x3  }
0x98: {  	_ =	strace s5  }
0x99: {  	_ =	strace $0x8FFFFFFF  }
0x9a: {  	s20 =	sld [smem:$0x3FDB];
	_ =	sdelay $0x1  }
0x9b: {  	s6 =	simm.s32 $_scs_section_size  }
0x9c: {  	s7 =	simm.s32 $_size__tile_overlayer_lowered;
	s8 =	simm.s32 $_tile_overlayer_lowered  }
0x9d: {  	s23 =	simm.s32 $0x1BFF;
	s22 =	sshll.u32 s8, $0x1;
	s5 =	sadd.s32 s6, s20  }
0x9e: {  	s9 =	simm.s32 $0x0;
	s21 =	sshll.u32 s7, $0x1;
	s7 =	sadd.s32 s22, s5  }
0x9f: {  	[timem:s9], [sflag:s23] =	dma.local [hbm:s7], s21  }
0xa0: {  	_ =	swait.ge [sflag:s23], s21  }
0xa1: {  	s6 =	ssub.s32 $0x0, s21;
	[sflag:s23] =	ssyncset.done $0x0  }
0xa2: {  	[sflag:s23] =	ssyncadd.s32 s6;
	_ =	sdelay $0x1  }
0xa3: {  	s24 =	simm.s32 $0x1B8B  }
0xa4: {  	_ =	swait.ge [sflag:s24], $0x1  }
0xa5: {  	[sflag:s24] =	ssyncset.done $0x0  }
0xa6: {  	s25 =	simm.s32 $0x1B8E;
	[sflag:s24] =	ssyncadd.s32 $0xFFFFFFFF  }
0xa7: {  	s26 =	simm.s32 $execute0_lowered;
	[smem:$0x3FD2] =	sst s25  }
0xa8: {  	s6 =	sshll.u32 s26, $0x1;
	_ =	strace $0x80000046;
	[dreg:$0x1] =	wrdreg $0xFFFFFFFF  }
0xa9: {  	s28 =	simm.s32 $_size_execute0_lowered;
	s5 =	sadd.s32 s5, s6;
	[dreg:$0x0] =	wrdreg $0x0  }
0xaa: {  	s6 =	sshll.u32 s28, $0x1;
	[dreg:$0x2] =	wrdreg s5  }
0xab: {  	[dreg:$0x3] =	wrdreg s6  }
0xac: {  	[dreg:$0x4] =	wrdreg $0xC0  }
0xad: {  	_ =	task [dreg:s9], $0x5FFFF  }
0xae: {  	[dreg:$0x1] =	wrdreg $0xFFFFFFFF  }
0xaf: {  	[dreg:$0x0] =	wrdreg $0x60  }
0xb0: {  	[dreg:$0x2] =	wrdreg s2  }
0xb1: {  	[dreg:$0x3] =	wrdreg s19  }
0xb2: {  	[dreg:$0x4] =	wrdreg s4  }
0xb3: {  	[dreg:$0x5] =	wrdreg $0x9  }
0xb4: {  	_ =	task.clear_ibuf [dreg:s9], $0x6FFFF;
	_ =	strace $0x90000046  }
0xb5: {  	s29 =	simm.s32 $0x9;
	_ =	strace $0x80000048  }
0xb6: {  	_ =	swait.ge [sflag:s29], $0x1  }
0xb7: {  	[sflag:s29] =	ssyncadd.s32 $0xFFFFFFFF  }
0xb8: {  	_ =	strace $0x90000048  }
0xb9: {  	_ =	sfence  }
0xba: {  	s30 =	sld [smem:$0x0];
	_ =	sdelay $0x2  }
0xbb: {  	s31 =	sshll.u32 s1, $0xD;
	s1 =	sshrl.u32 s1, $0x2  }
0xbc: {  	s3 =	sand.u32 $0x4000, s31;
	s1 =	sadd.s32 s1, s30  }
0xbd: {  	s0 =	sor.u32 s3, s0;
	s1 =	sshll.u32 s1, $0x11  }
0xbe: {  	s0 =	sor.u32 s1, s0  }
0xbf: {  	s0 =	sadd.s32 $0x8F2B, s0  }
0xc0: {  	[sflag:s0] =	ssyncadd.remote.s32 $0x1  }
0xc1: {  	_ =	sfence.sel $0xFFFF  }
0xc2: {  	[dreg:$0x0] =	wrdreg $0xFFFFFFFF;
	(pc) =	sbr.abs _section_cstart, $3  }
0xc3: {  	[dreg:$0x1] =	wrdreg $0xFFFFFFFF  }
0xc4: {  	_ =	task.clear_ibuf [dreg:s9], $0x2FFFF;
	_ =	strace $0x9FFFFFFF  }
0xc5: {  	(tm) =	ssettm $0x7FFFFFFF  }
tec
execute0_lowered:
.L_overlay_start_1:
0x0: {  	(tag) =	ssettag $0x1  }
0x1: {  	s0 =	rddreg [dreg:$0x0];
	s1 =	srdreg.scid  }
0x2: {  	s3 =	stileid.u32;
	s2 =	rddreg [dreg:$0x1]  }
0x3: {  	s9 =	simm.s32 $0x1;
	s10 =	simm.s32 $0x80;
	s11 =	simm.s32 $0x6400  }
0x4: {  	s12 =	simm.s32 $0xA400;
	s13 =	simm.s32 $0x100;
	s14 =	simm.s32 $0xE400  }
0x5: {  	s15 =	simm.s32 $0x180;
	s16 =	simm.s32 $0x12400;
	s17 =	simm.s32 $0x2  }
0x6: {  	s18 =	simm.s32 $0x3;
	s19 =	simm.s32 $0x4;
	s20 =	simm.s32 $0x5  }
0x7: {  	s21 =	simm.s32 $0x6;
	s22 =	simm.s32 $0x7;
	s23 =	simm.s32 $0x8  }
0x8: {  	s24 =	simm.s32 $0x9;
	s1 =	sand.u32 $0x1, s1;
	s4 =	sshll.u32 s3, $0x1  }
.Ltmp0:
0x9: {  	s25 =	simm.s32 $0x0;
	s5 =	sor.u32 s1, s4;
	(pc) =	sbr.rel .LBB2_1-.Ltmp0, $4  }
0xa: {  	s4 =	simm.s32 $0x0;
	s1 =	ssub.s32 $0x2, s1;
	s6 =	smul.u32 $0xC80, s5  }
0xb: {  	[smem:$0x7FF] =	sst s4;
	s5 =	smul.u32 $0x320000, s5;
	s7 =	sshrl.u32 s1, $0x1  }
0xc: {  	s3 =	rddreg [dreg:$0x2];
	_ =	strace $0x80000047;
	s1 =	ssub.s32 s1, s7  }
0xd: {  	s6 =	sadd.s32 s0, s6;
	s7 =	sor.u32 $0x4000, s5;
	s8 =	smax.u32 s1, $0x1  }
.LBB2_12:
0xe: {  	_ =	swait.ge [sflag:s21], $0x4000  }
0xf: {  	[sflag:s21] =	ssyncset.done $0x0  }
0x10: {  	[sflag:s21] =	ssyncadd.s32 $0xFFFFC000  }
0x11: {  	_ =	swait.ge [sflag:s22], $0x4000  }
0x12: {  	[sflag:s22] =	ssyncset.done $0x0  }
0x13: {  	s25 =	sadd.s32 $0x1, s25;
	[sflag:s22] =	ssyncadd.s32 $0xFFFFC000  }
0x14: {  	p0 =	sne.s32 s25, s8;
	_ =	swait.ge [sflag:s23], $0x4000  }
.Ltmp1:
0x15: {  	[sflag:s23] =	ssyncset.done $0x0;
	(pc) =	sbr.rel @!p0 .LBB2_13-.Ltmp1, $4  }
0x16: {  	[sflag:s23] =	ssyncadd.s32 $0xFFFFC000  }
0x17: {  	_ =	swait.ge [sflag:s24], $0x4000  }
0x18: {  	[sflag:s24] =	ssyncset.done $0x0  }
0x19: {  	[sflag:s24] =	ssyncadd.s32 $0xFFFFC000  }
.LBB2_1:
0x1a: {  	[tilespmem:s4], [sflag:$0x1] =	stream.linear.gather [hbm4b:s6+s4], $0x6400, $0x38;
	[tilespmem:$0x16400] =	vst v63  }
0x1b: {  	_ =	swait.ge [sflag:s9], $0x6400  }
0x1c: {  	[sflag:s9] =	ssyncset.done $0x0  }
0x1d: {  	[sflag:s9] =	ssyncadd.s32 $0xFFFF9C00  }
0x1e: {  	[tilespmem:s11], [sflag:$0x2] =	stream.indirect.gather [hbm4b:s2+s10], $0x80, s4, s10, $0xb8;
	[tilespmem:$0x16400] =	vst v63  }
0x1f: {  	_ = 	snop  }
0x20: {  	[tilespmem:s12], [sflag:$0x3] =	stream.indirect.gather [hbm4b:s2+s10], $0x80, s10, s10, $0xb8;
	[tilespmem:$0x16400] =	vst v63  }
0x21: {  	_ = 	snop  }
0x22: {  	[tilespmem:s14], [sflag:$0x4] =	stream.indirect.gather [hbm4b:s2+s10], $0x80, s13, s10, $0xb8;
	[tilespmem:$0x16400] =	vst v63  }
0x23: {  	s26 =	simm.s32 $0x0  }
0x24: {  	[tilespmem:s16], [sflag:$0x5] =	stream.indirect.gather [hbm4b:s2+s10], $0x80, s15, s10, $0xb8;
	[tilespmem:$0x16400] =	vst v63  }
.LBB2_2:
0x25: {  	_ =	swait.ge [sflag:s17], $0x4000  }
0x26: {  	[sflag:s17] =	ssyncset.done $0x0  }
0x27: {  	s29 =	simm.s32 $0x6600;
	[sflag:s17] =	ssyncadd.s32 $0xFFFFC000  }
0x28: {  	v0 =	vld [tilespmem:s29+$0x1B0]  }
0x29: {  	v1 =	vld [tilespmem:s29+$0xFFFFFE10]  }
0x2a: {  	v2 =	vld [tilespmem:s29+$0xFFFFFE20]  }
0x2b: {  	v3 =	vld [tilespmem:s29+$0xFFFFFE30]  }
0x2c: {  	v4 =	vld [tilespmem:s29+$0xFFFFFE80]  }
0x2d: {  	v5 =	vld [tilespmem:s29+$0xFFFFFE90];
	v0 =	vmul.f32 $8.000000000e+00, v0  }
0x2e: {  	v6 =	vld [tilespmem:s29+$0xFFFFFEA0];
	v1 =	vmul.f32 $8.000000000e+00, v1  }
0x2f: {  	v7 =	vld [tilespmem:s29+$0xFFFFFEB0];
	v2 =	vmul.f32 $8.000000000e+00, v2;
	[tilespmem:s29+$0x1B0] =	vst v0  }
0x30: {  	[tilespmem:s29+$0xFFFFFE10] =	vst v1;
	v0 =	vmul.f32 $8.000000000e+00, v3;
	v1 =	vld [tilespmem:s29+$0xFFFFFF00]  }
0x31: {  	[tilespmem:s29+$0xFFFFFE20] =	vst v2;
	v2 =	vmul.f32 $8.000000000e+00, v4;
	v3 =	vld [tilespmem:s29+$0xFFFFFF10]  }
0x32: {  	v4 =	vld [tilespmem:s29+$0xFFFFFF20];
	[tilespmem:s29+$0xFFFFFE30] =	vst v0;
	v0 =	vmul.f32 $8.000000000e+00, v5  }
0x33: {  	[tilespmem:s29+$0xFFFFFE80] =	vst v2;
	v2 =	vmul.f32 $8.000000000e+00, v6;
	v5 =	vld [tilespmem:s29+$0xFFFFFF30]  }
0x34: {  	v6 =	vld [tilespmem:s29+$0xFFFFFF80];
	[tilespmem:s29+$0xFFFFFE90] =	vst v0;
	v0 =	vmul.f32 $8.000000000e+00, v7  }
0x35: {  	[tilespmem:s29+$0xFFFFFEA0] =	vst v2;
	v2 =	vld [tilespmem:s29+$0xFFFFFF90];
	v1 =	vmul.f32 $8.000000000e+00, v1  }
0x36: {  	[tilespmem:s29+$0xFFFFFEB0] =	vst v0;
	v0 =	vmul.f32 $8.000000000e+00, v3;
	v3 =	vld [tilespmem:s29+$0xFFFFFFA0]  }
0x37: {  	[tilespmem:s29+$0xFFFFFF00] =	vst v1;
	v1 =	vmul.f32 $8.000000000e+00, v4;
	v4 =	vld [tilespmem:s29+$0xFFFFFFB0]  }
0x38: {  	[tilespmem:s29+$0xFFFFFF10] =	vst v0;
	v0 =	vmul.f32 $8.000000000e+00, v5;
	v5 =	vld [tilespmem:s29+$0x0]  }
0x39: {  	[tilespmem:s29+$0xFFFFFF20] =	vst v1;
	v1 =	vmul.f32 $8.000000000e+00, v6;
	v6 =	vld [tilespmem:s29+$0x10]  }
0x3a: {  	[tilespmem:s29+$0xFFFFFF30] =	vst v0;
	v0 =	vmul.f32 $8.000000000e+00, v2;
	v2 =	vld [tilespmem:s29+$0x20]  }
0x3b: {  	[tilespmem:s29+$0xFFFFFF80] =	vst v1;
	v1 =	vmul.f32 $8.000000000e+00, v3;
	v3 =	vld [tilespmem:s29+$0x30]  }
0x3c: {  	[tilespmem:s29+$0xFFFFFF90] =	vst v0;
	v0 =	vmul.f32 $8.000000000e+00, v4;
	v4 =	vld [tilespmem:s29+$0x80]  }
0x3d: {  	[tilespmem:s29+$0xFFFFFFA0] =	vst v1;
	v1 =	vmul.f32 $8.000000000e+00, v5;
	v5 =	vld [tilespmem:s29+$0x90]  }
0x3e: {  	[tilespmem:s29+$0xFFFFFFB0] =	vst v0;
	v0 =	vmul.f32 $8.000000000e+00, v6;
	v6 =	vld [tilespmem:s29+$0xA0]  }
0x3f: {  	[tilespmem:s29+$0x0] =	vst v1;
	v1 =	vmul.f32 $8.000000000e+00, v2;
	v2 =	vld [tilespmem:s29+$0xB0]  }
0x40: {  	[tilespmem:s29+$0x10] =	vst v0;
	v0 =	vmul.f32 $8.000000000e+00, v3;
	v3 =	vld [tilespmem:s29+$0x100]  }
0x41: {  	[tilespmem:s29+$0x20] =	vst v1;
	v1 =	vmul.f32 $8.000000000e+00, v4;
	v4 =	vld [tilespmem:s29+$0x110]  }
0x42: {  	v7 =	vld [tilespmem:s29+$0x120];
	[tilespmem:s29+$0x30] =	vst v0;
	v5 =	vmul.f32 $8.000000000e+00, v5  }
0x43: {  	v0 =	vld [tilespmem:s29+$0x130];
	[tilespmem:s29+$0x80] =	vst v1;
	v6 =	vmul.f32 $8.000000000e+00, v6  }
0x44: {  	v1 =	vld [tilespmem:s29+$0x180];
	[tilespmem:s29+$0x90] =	vst v5;
	v5 =	vmul.f32 $8.000000000e+00, v2  }
0x45: {  	v2 =	vld [tilespmem:s29+$0x190];
	[tilespmem:s29+$0xA0] =	vst v6;
	v6 =	vmul.f32 $8.000000000e+00, v3  }
0x46: {  	v3 =	vld [tilespmem:s29+$0x1A0];
	[tilespmem:s29+$0xB0] =	vst v5;
	v5 =	vmul.f32 $8.000000000e+00, v4  }
0x47: {  	s28 =	simm.s32 $0x0;
	s1 =	simm.s32 $0x6A00;
	v4 =	vld [tilespmem:s29+$0xFFFFFE00];
	[tilespmem:s29+$0x100] =	vst v6;
	v6 =	vmul.f32 $8.000000000e+00, v7  }
.LBB2_3:
0x48: {  	v7 =	vld [tilespmem:s1+$0x1B0];
	s28 =	sadd.s32 $0x8, s28;
	[tilespmem:s29+$0x110] =	vst v5;
	v0 =	vmul.f32 $8.000000000e+00, v0  }
0x49: {  	v5 =	vld [tilespmem:s1+$0xFFFFFE10];
	p0 =	slt.u32 s28, $0x78;
	[tilespmem:s29+$0x120] =	vst v6;
	v1 =	vmul.f32 $8.000000000e+00, v1  }
0x4a: {  	v6 =	vld [tilespmem:s1+$0xFFFFFE20];
	[tilespmem:s29+$0x130] =	vst v0;
	v0 =	vmul.f32 $8.000000000e+00, v2  }
0x4b: {  	v2 =	vld [tilespmem:s1+$0xFFFFFE30];
	[tilespmem:s29+$0x180] =	vst v1;
	v1 =	vmul.f32 $8.000000000e+00, v3  }
0x4c: {  	v3 =	vld [tilespmem:s1+$0xFFFFFE80];
	v4 =	vmul.f32 $8.000000000e+00, v4;
	[tilespmem:s29+$0x190] =	vst v0  }
0x4d: {  	v0 =	vld [tilespmem:s1+$0xFFFFFE90];
	v7 =	vmul.f32 $8.000000000e+00, v7;
	[tilespmem:s29+$0x1A0] =	vst v1  }
0x4e: {  	v1 =	vmul.f32 $8.000000000e+00, v5;
	v5 =	vld [tilespmem:s1+$0xFFFFFEA0];
	[tilespmem:s29+$0xFFFFFE00] =	vst v4;
	s29 =	smov.u32 s1  }
0x4f: {  	v4 =	vmul.f32 $8.000000000e+00, v6;
	v6 =	vld [tilespmem:s1+$0xFFFFFEB0];
	[tilespmem:s1+$0x1B0] =	vst v7  }
0x50: {  	[tilespmem:s1+$0xFFFFFE10] =	vst v1;
	v1 =	vmul.f32 $8.000000000e+00, v2;
	v2 =	vld [tilespmem:s1+$0xFFFFFF00]  }
0x51: {  	[tilespmem:s1+$0xFFFFFE20] =	vst v4;
	v3 =	vmul.f32 $8.000000000e+00, v3;
	v4 =	vld [tilespmem:s1+$0xFFFFFF10]  }
0x52: {  	[tilespmem:s1+$0xFFFFFE30] =	vst v1;
	v0 =	vmul.f32 $8.000000000e+00, v0;
	v1 =	vld [tilespmem:s1+$0xFFFFFF20]  }
0x53: {  	[tilespmem:s1+$0xFFFFFE80] =	vst v3;
	v3 =	vmul.f32 $8.000000000e+00, v5;
	v5 =	vld [tilespmem:s1+$0xFFFFFF30]  }
0x54: {  	[tilespmem:s1+$0xFFFFFE90] =	vst v0;
	v0 =	vmul.f32 $8.000000000e+00, v6;
	v6 =	vld [tilespmem:s1+$0xFFFFFF80]  }
0x55: {  	[tilespmem:s1+$0xFFFFFEA0] =	vst v3;
	v2 =	vmul.f32 $8.000000000e+00, v2;
	v3 =	vld [tilespmem:s1+$0xFFFFFF90]  }
0x56: {  	[tilespmem:s1+$0xFFFFFEB0] =	vst v0;
	v0 =	vmul.f32 $8.000000000e+00, v4;
	v4 =	vld [tilespmem:s1+$0xFFFFFFA0]  }
0x57: {  	[tilespmem:s1+$0xFFFFFF00] =	vst v2;
	v1 =	vmul.f32 $8.000000000e+00, v1;
	v2 =	vld [tilespmem:s1+$0xFFFFFFB0]  }
0x58: {  	[tilespmem:s1+$0xFFFFFF10] =	vst v0;
	v0 =	vmul.f32 $8.000000000e+00, v5;
	v5 =	vld [tilespmem:s1+$0x0]  }
0x59: {  	[tilespmem:s1+$0xFFFFFF20] =	vst v1;
	v1 =	vmul.f32 $8.000000000e+00, v6;
	v6 =	vld [tilespmem:s1+$0x10]  }
0x5a: {  	[tilespmem:s1+$0xFFFFFF30] =	vst v0;
	v0 =	vmul.f32 $8.000000000e+00, v3;
	v3 =	vld [tilespmem:s1+$0x20]  }
0x5b: {  	[tilespmem:s1+$0xFFFFFF80] =	vst v1;
	v1 =	vmul.f32 $8.000000000e+00, v4;
	v4 =	vld [tilespmem:s1+$0x30]  }
0x5c: {  	[tilespmem:s1+$0xFFFFFF90] =	vst v0;
	v0 =	vmul.f32 $8.000000000e+00, v2;
	v2 =	vld [tilespmem:s1+$0x80]  }
0x5d: {  	[tilespmem:s1+$0xFFFFFFA0] =	vst v1;
	v1 =	vmul.f32 $8.000000000e+00, v5;
	v5 =	vld [tilespmem:s1+$0x90]  }
0x5e: {  	[tilespmem:s1+$0xFFFFFFB0] =	vst v0;
	v0 =	vmul.f32 $8.000000000e+00, v6;
	v6 =	vld [tilespmem:s1+$0xA0]  }
0x5f: {  	[tilespmem:s1+$0x0] =	vst v1;
	v1 =	vmul.f32 $8.000000000e+00, v3;
	v3 =	vld [tilespmem:s1+$0xB0]  }
0x60: {  	[tilespmem:s1+$0x10] =	vst v0;
	v0 =	vmul.f32 $8.000000000e+00, v4;
	v4 =	vld [tilespmem:s1+$0x100]  }
0x61: {  	[tilespmem:s1+$0x20] =	vst v1;
	v1 =	vmul.f32 $8.000000000e+00, v2;
	v7 =	vld [tilespmem:s1+$0x110]  }
0x62: {  	[tilespmem:s1+$0x30] =	vst v0;
	v2 =	vmul.f32 $8.000000000e+00, v5;
	v8 =	vld [tilespmem:s1+$0x120]  }
.Ltmp2:
0x63: {  	[tilespmem:s1+$0x80] =	vst v1;
	v5 =	vmul.f32 $8.000000000e+00, v6;
	v0 =	vld [tilespmem:s1+$0x130];
	(pc) =	sbr.rel @p0 .LBB2_3-.Ltmp2, $4  }
0x64: {  	[tilespmem:s1+$0x90] =	vst v2;
	v3 =	vmul.f32 $8.000000000e+00, v3;
	v1 =	vld [tilespmem:s1+$0x180]  }
0x65: {  	[tilespmem:s1+$0xA0] =	vst v5;
	v6 =	vmul.f32 $8.000000000e+00, v4;
	v2 =	vld [tilespmem:s1+$0x190]  }
0x66: {  	[tilespmem:s1+$0xB0] =	vst v3;
	v5 =	vmul.f32 $8.000000000e+00, v7;
	v3 =	vld [tilespmem:s1+$0x1A0]  }
0x67: {  	s1 =	sadd.s32 $0x400, s1;
	v4 =	vld [tilespmem:s29+$0xFFFFFE00];
	[tilespmem:s29+$0x100] =	vst v6;
	v6 =	vmul.f32 $8.000000000e+00, v8  }
0x68: {  	[tilespmem:s29+$0x110] =	vst v5;
	v0 =	vmul.f32 $8.000000000e+00, v0  }
0x69: {  	[tilespmem:s29+$0x120] =	vst v6;
	v1 =	vmul.f32 $8.000000000e+00, v1  }
0x6a: {  	[tilespmem:s29+$0x130] =	vst v0;
	v0 =	vmul.f32 $8.000000000e+00, v2  }
0x6b: {  	s28 =	sshll.u32 s26, $0x10;
	[tilespmem:s29+$0x180] =	vst v1;
	v1 =	vmul.f32 $8.000000000e+00, v3  }
0x6c: {  	s0 =	sadd.s32 s5, s28;
	v2 =	vmul.f32 $8.000000000e+00, v4;
	[tilespmem:s29+$0x190] =	vst v0  }
0x6d: {  	s0 =	sshrl.u32 s0, $0x3;
	[tilespmem:s29+$0x1A0] =	vst v1  }
0x6e: {  	p0 =	seq.s32 s26, $0x0;
	s0 =	sadd.s32 s3, s0;
	[tilespmem:s29+$0xFFFFFE00] =	vst v2  }
0x6f: {  	[hbm4b:s0+s4] =	stream.linear.scatter [tilespmem:s11], [sflag:$0x6], $0x4000, $0x38;
	[tilespmem:$0x16400] =	vst v63  }
0x70: {  	s0 =	simm.s32 @!p0 $0x8  }
0x71: {  	s30 =	sshll.u32 s26, $0x2;
	_ =	swait.ge @!p0 [sflag:s0], $0x4000  }
0x72: {  	s29 =	sor.u32 $0x2, s30;
	[sflag:s0] =	ssyncset.done @!p0 $0x0  }
0x73: {  	[sflag:s0] =	ssyncadd.s32 @!p0 $0xFFFFC000;
	s0 =	sshll.u32 @!p0 s29, $0x7  }
0x74: {  	s1 =	simm.s32 @!p0 $0x80;
	s31 =	simm.s32 @!p0 $0xE400;
	s0 =	sand.u32 @!p0 $0x3FFFFF80, s0  }
0x75: {  	[tilespmem:s31], [sflag:$0x4] =	stream.indirect.gather @!p0 [hbm4b:s2+s1], $0x80, s0, s1, $0xb8;
	[tilespmem:$0x16400] =	vst v63  }
0x76: {  	_ =	swait.ge [sflag:s18], $0x4000  }
0x77: {  	[sflag:s18] =	ssyncset.done $0x0  }
0x78: {  	s31 =	simm.s32 $0xA600;
	[sflag:s18] =	ssyncadd.s32 $0xFFFFC000  }
0x79: {  	v0 =	vld [tilespmem:s31+$0x1B0]  }
0x7a: {  	v1 =	vld [tilespmem:s31+$0xFFFFFE10]  }
0x7b: {  	v2 =	vld [tilespmem:s31+$0xFFFFFE20]  }
0x7c: {  	v3 =	vld [tilespmem:s31+$0xFFFFFE30]  }
0x7d: {  	v4 =	vld [tilespmem:s31+$0xFFFFFE80]  }
0x7e: {  	v5 =	vld [tilespmem:s31+$0xFFFFFE90];
	v0 =	vmul.f32 $8.000000000e+00, v0  }
0x7f: {  	v6 =	vld [tilespmem:s31+$0xFFFFFEA0];
	v1 =	vmul.f32 $8.000000000e+00, v1  }
0x80: {  	v7 =	vld [tilespmem:s31+$0xFFFFFEB0];
	v2 =	vmul.f32 $8.000000000e+00, v2;
	[tilespmem:s31+$0x1B0] =	vst v0  }
0x81: {  	[tilespmem:s31+$0xFFFFFE10] =	vst v1;
	v0 =	vmul.f32 $8.000000000e+00, v3;
	v1 =	vld [tilespmem:s31+$0xFFFFFF00]  }
0x82: {  	[tilespmem:s31+$0xFFFFFE20] =	vst v2;
	v2 =	vmul.f32 $8.000000000e+00, v4;
	v3 =	vld [tilespmem:s31+$0xFFFFFF10]  }
0x83: {  	v4 =	vld [tilespmem:s31+$0xFFFFFF20];
	[tilespmem:s31+$0xFFFFFE30] =	vst v0;
	v0 =	vmul.f32 $8.000000000e+00, v5  }
0x84: {  	[tilespmem:s31+$0xFFFFFE80] =	vst v2;
	v2 =	vmul.f32 $8.000000000e+00, v6;
	v5 =	vld [tilespmem:s31+$0xFFFFFF30]  }
0x85: {  	v6 =	vld [tilespmem:s31+$0xFFFFFF80];
	[tilespmem:s31+$0xFFFFFE90] =	vst v0;
	v0 =	vmul.f32 $8.000000000e+00, v7  }
0x86: {  	[tilespmem:s31+$0xFFFFFEA0] =	vst v2;
	v2 =	vld [tilespmem:s31+$0xFFFFFF90];
	v1 =	vmul.f32 $8.000000000e+00, v1  }
0x87: {  	[tilespmem:s31+$0xFFFFFEB0] =	vst v0;
	v0 =	vmul.f32 $8.000000000e+00, v3;
	v3 =	vld [tilespmem:s31+$0xFFFFFFA0]  }
0x88: {  	[tilespmem:s31+$0xFFFFFF00] =	vst v1;
	v1 =	vmul.f32 $8.000000000e+00, v4;
	v4 =	vld [tilespmem:s31+$0xFFFFFFB0]  }
0x89: {  	[tilespmem:s31+$0xFFFFFF10] =	vst v0;
	v0 =	vmul.f32 $8.000000000e+00, v5;
	v5 =	vld [tilespmem:s31+$0x0]  }
0x8a: {  	[tilespmem:s31+$0xFFFFFF20] =	vst v1;
	v1 =	vmul.f32 $8.000000000e+00, v6;
	v6 =	vld [tilespmem:s31+$0x10]  }
0x8b: {  	[tilespmem:s31+$0xFFFFFF30] =	vst v0;
	v0 =	vmul.f32 $8.000000000e+00, v2;
	v2 =	vld [tilespmem:s31+$0x20]  }
0x8c: {  	[tilespmem:s31+$0xFFFFFF80] =	vst v1;
	v1 =	vmul.f32 $8.000000000e+00, v3;
	v3 =	vld [tilespmem:s31+$0x30]  }
0x8d: {  	[tilespmem:s31+$0xFFFFFF90] =	vst v0;
	v0 =	vmul.f32 $8.000000000e+00, v4;
	v4 =	vld [tilespmem:s31+$0x80]  }
0x8e: {  	[tilespmem:s31+$0xFFFFFFA0] =	vst v1;
	v1 =	vmul.f32 $8.000000000e+00, v5;
	v5 =	vld [tilespmem:s31+$0x90]  }
0x8f: {  	[tilespmem:s31+$0xFFFFFFB0] =	vst v0;
	v0 =	vmul.f32 $8.000000000e+00, v6;
	v6 =	vld [tilespmem:s31+$0xA0]  }
0x90: {  	[tilespmem:s31+$0x0] =	vst v1;
	v1 =	vmul.f32 $8.000000000e+00, v2;
	v2 =	vld [tilespmem:s31+$0xB0]  }
0x91: {  	[tilespmem:s31+$0x10] =	vst v0;
	v0 =	vmul.f32 $8.000000000e+00, v3;
	v3 =	vld [tilespmem:s31+$0x100]  }
0x92: {  	[tilespmem:s31+$0x20] =	vst v1;
	v1 =	vmul.f32 $8.000000000e+00, v4;
	v4 =	vld [tilespmem:s31+$0x110]  }
0x93: {  	v7 =	vld [tilespmem:s31+$0x120];
	[tilespmem:s31+$0x30] =	vst v0;
	v5 =	vmul.f32 $8.000000000e+00, v5  }
0x94: {  	v0 =	vld [tilespmem:s31+$0x130];
	[tilespmem:s31+$0x80] =	vst v1;
	v6 =	vmul.f32 $8.000000000e+00, v6  }
0x95: {  	v1 =	vld [tilespmem:s31+$0x180];
	[tilespmem:s31+$0x90] =	vst v5;
	v5 =	vmul.f32 $8.000000000e+00, v2  }
0x96: {  	v2 =	vld [tilespmem:s31+$0x190];
	[tilespmem:s31+$0xA0] =	vst v6;
	v6 =	vmul.f32 $8.000000000e+00, v3  }
0x97: {  	v3 =	vld [tilespmem:s31+$0x1A0];
	[tilespmem:s31+$0xB0] =	vst v5;
	v5 =	vmul.f32 $8.000000000e+00, v4  }
0x98: {  	s1 =	simm.s32 $0x0;
	s0 =	simm.s32 $0xAA00;
	v4 =	vld [tilespmem:s31+$0xFFFFFE00];
	[tilespmem:s31+$0x100] =	vst v6;
	v6 =	vmul.f32 $8.000000000e+00, v7  }
.LBB2_5:
0x99: {  	v7 =	vld [tilespmem:s0+$0x1B0];
	s1 =	sadd.s32 $0x8, s1;
	[tilespmem:s31+$0x110] =	vst v5;
	v0 =	vmul.f32 $8.000000000e+00, v0  }
0x9a: {  	v5 =	vld [tilespmem:s0+$0xFFFFFE10];
	p1 =	slt.u32 s1, $0x78;
	[tilespmem:s31+$0x120] =	vst v6;
	v1 =	vmul.f32 $8.000000000e+00, v1  }
0x9b: {  	v6 =	vld [tilespmem:s0+$0xFFFFFE20];
	[tilespmem:s31+$0x130] =	vst v0;
	v0 =	vmul.f32 $8.000000000e+00, v2  }
0x9c: {  	v2 =	vld [tilespmem:s0+$0xFFFFFE30];
	[tilespmem:s31+$0x180] =	vst v1;
	v1 =	vmul.f32 $8.000000000e+00, v3  }
0x9d: {  	v3 =	vld [tilespmem:s0+$0xFFFFFE80];
	v4 =	vmul.f32 $8.000000000e+00, v4;
	[tilespmem:s31+$0x190] =	vst v0  }
0x9e: {  	v0 =	vld [tilespmem:s0+$0xFFFFFE90];
	v7 =	vmul.f32 $8.000000000e+00, v7;
	[tilespmem:s31+$0x1A0] =	vst v1  }
0x9f: {  	v1 =	vmul.f32 $8.000000000e+00, v5;
	v5 =	vld [tilespmem:s0+$0xFFFFFEA0];
	[tilespmem:s31+$0xFFFFFE00] =	vst v4;
	s31 =	smov.u32 s0  }
0xa0: {  	v4 =	vmul.f32 $8.000000000e+00, v6;
	v6 =	vld [tilespmem:s0+$0xFFFFFEB0];
	[tilespmem:s0+$0x1B0] =	vst v7  }
0xa1: {  	[tilespmem:s0+$0xFFFFFE10] =	vst v1;
	v1 =	vmul.f32 $8.000000000e+00, v2;
	v2 =	vld [tilespmem:s0+$0xFFFFFF00]  }
0xa2: {  	[tilespmem:s0+$0xFFFFFE20] =	vst v4;
	v3 =	vmul.f32 $8.000000000e+00, v3;
	v4 =	vld [tilespmem:s0+$0xFFFFFF10]  }
0xa3: {  	[tilespmem:s0+$0xFFFFFE30] =	vst v1;
	v0 =	vmul.f32 $8.000000000e+00, v0;
	v1 =	vld [tilespmem:s0+$0xFFFFFF20]  }
0xa4: {  	[tilespmem:s0+$0xFFFFFE80] =	vst v3;
	v3 =	vmul.f32 $8.000000000e+00, v5;
	v5 =	vld [tilespmem:s0+$0xFFFFFF30]  }
0xa5: {  	[tilespmem:s0+$0xFFFFFE90] =	vst v0;
	v0 =	vmul.f32 $8.000000000e+00, v6;
	v6 =	vld [tilespmem:s0+$0xFFFFFF80]  }
0xa6: {  	[tilespmem:s0+$0xFFFFFEA0] =	vst v3;
	v2 =	vmul.f32 $8.000000000e+00, v2;
	v3 =	vld [tilespmem:s0+$0xFFFFFF90]  }
0xa7: {  	[tilespmem:s0+$0xFFFFFEB0] =	vst v0;
	v0 =	vmul.f32 $8.000000000e+00, v4;
	v4 =	vld [tilespmem:s0+$0xFFFFFFA0]  }
0xa8: {  	[tilespmem:s0+$0xFFFFFF00] =	vst v2;
	v1 =	vmul.f32 $8.000000000e+00, v1;
	v2 =	vld [tilespmem:s0+$0xFFFFFFB0]  }
0xa9: {  	[tilespmem:s0+$0xFFFFFF10] =	vst v0;
	v0 =	vmul.f32 $8.000000000e+00, v5;
	v5 =	vld [tilespmem:s0+$0x0]  }
0xaa: {  	[tilespmem:s0+$0xFFFFFF20] =	vst v1;
	v1 =	vmul.f32 $8.000000000e+00, v6;
	v6 =	vld [tilespmem:s0+$0x10]  }
0xab: {  	[tilespmem:s0+$0xFFFFFF30] =	vst v0;
	v0 =	vmul.f32 $8.000000000e+00, v3;
	v3 =	vld [tilespmem:s0+$0x20]  }
0xac: {  	[tilespmem:s0+$0xFFFFFF80] =	vst v1;
	v1 =	vmul.f32 $8.000000000e+00, v4;
	v4 =	vld [tilespmem:s0+$0x30]  }
0xad: {  	[tilespmem:s0+$0xFFFFFF90] =	vst v0;
	v0 =	vmul.f32 $8.000000000e+00, v2;
	v2 =	vld [tilespmem:s0+$0x80]  }
0xae: {  	[tilespmem:s0+$0xFFFFFFA0] =	vst v1;
	v1 =	vmul.f32 $8.000000000e+00, v5;
	v5 =	vld [tilespmem:s0+$0x90]  }
0xaf: {  	[tilespmem:s0+$0xFFFFFFB0] =	vst v0;
	v0 =	vmul.f32 $8.000000000e+00, v6;
	v6 =	vld [tilespmem:s0+$0xA0]  }
0xb0: {  	[tilespmem:s0+$0x0] =	vst v1;
	v1 =	vmul.f32 $8.000000000e+00, v3;
	v3 =	vld [tilespmem:s0+$0xB0]  }
0xb1: {  	[tilespmem:s0+$0x10] =	vst v0;
	v0 =	vmul.f32 $8.000000000e+00, v4;
	v4 =	vld [tilespmem:s0+$0x100]  }
0xb2: {  	[tilespmem:s0+$0x20] =	vst v1;
	v1 =	vmul.f32 $8.000000000e+00, v2;
	v7 =	vld [tilespmem:s0+$0x110]  }
0xb3: {  	[tilespmem:s0+$0x30] =	vst v0;
	v2 =	vmul.f32 $8.000000000e+00, v5;
	v8 =	vld [tilespmem:s0+$0x120]  }
.Ltmp3:
0xb4: {  	[tilespmem:s0+$0x80] =	vst v1;
	v5 =	vmul.f32 $8.000000000e+00, v6;
	v0 =	vld [tilespmem:s0+$0x130];
	(pc) =	sbr.rel @p1 .LBB2_5-.Ltmp3, $4  }
0xb5: {  	[tilespmem:s0+$0x90] =	vst v2;
	v3 =	vmul.f32 $8.000000000e+00, v3;
	v1 =	vld [tilespmem:s0+$0x180]  }
0xb6: {  	[tilespmem:s0+$0xA0] =	vst v5;
	v6 =	vmul.f32 $8.000000000e+00, v4;
	v2 =	vld [tilespmem:s0+$0x190]  }
0xb7: {  	[tilespmem:s0+$0xB0] =	vst v3;
	v5 =	vmul.f32 $8.000000000e+00, v7;
	v3 =	vld [tilespmem:s0+$0x1A0]  }
0xb8: {  	s0 =	sadd.s32 $0x400, s0;
	v4 =	vld [tilespmem:s31+$0xFFFFFE00];
	[tilespmem:s31+$0x100] =	vst v6;
	v6 =	vmul.f32 $8.000000000e+00, v8  }
0xb9: {  	[tilespmem:s31+$0x110] =	vst v5;
	v0 =	vmul.f32 $8.000000000e+00, v0  }
0xba: {  	[tilespmem:s31+$0x120] =	vst v6;
	v1 =	vmul.f32 $8.000000000e+00, v1  }
0xbb: {  	[tilespmem:s31+$0x130] =	vst v0;
	v0 =	vmul.f32 $8.000000000e+00, v2  }
0xbc: {  	[tilespmem:s31+$0x180] =	vst v1;
	v1 =	vmul.f32 $8.000000000e+00, v3  }
0xbd: {  	s0 =	sadd.s32 s28, s7;
	v2 =	vmul.f32 $8.000000000e+00, v4;
	[tilespmem:s31+$0x190] =	vst v0  }
0xbe: {  	s0 =	sshrl.u32 s0, $0x3;
	[tilespmem:s31+$0x1A0] =	vst v1  }
0xbf: {  	s0 =	sadd.s32 s3, s0;
	[tilespmem:s31+$0xFFFFFE00] =	vst v2  }
0xc0: {  	[hbm4b:s0+s4] =	stream.linear.scatter [tilespmem:s12], [sflag:$0x7], $0x4000, $0x38;
	[tilespmem:$0x16400] =	vst v63  }
0xc1: {  	s0 =	simm.s32 @!p0 $0x9  }
0xc2: {  	_ =	swait.ge @!p0 [sflag:s0], $0x4000  }
0xc3: {  	s28 =	sor.u32 $0x3, s30;
	[sflag:s0] =	ssyncset.done @!p0 $0x0  }
0xc4: {  	[sflag:s0] =	ssyncadd.s32 @!p0 $0xFFFFC000;
	s0 =	sshll.u32 @!p0 s28, $0x7  }
0xc5: {  	s1 =	simm.s32 @!p0 $0x80;
	s30 =	simm.s32 @!p0 $0x12400;
	s0 =	sand.u32 @!p0 $0x3FFFFF80, s0  }
0xc6: {  	[tilespmem:s30], [sflag:$0x5] =	stream.indirect.gather @!p0 [hbm4b:s2+s1], $0x80, s0, s1, $0xb8;
	[tilespmem:$0x16400] =	vst v63  }
0xc7: {  	_ =	swait.ge [sflag:s19], $0x4000  }
0xc8: {  	[sflag:s19] =	ssyncset.done $0x0  }
0xc9: {  	s30 =	simm.s32 $0xE600;
	[sflag:s19] =	ssyncadd.s32 $0xFFFFC000  }
0xca: {  	v0 =	vld [tilespmem:s30+$0x1B0]  }
0xcb: {  	v1 =	vld [tilespmem:s30+$0xFFFFFE10]  }
0xcc: {  	v2 =	vld [tilespmem:s30+$0xFFFFFE20]  }
0xcd: {  	v3 =	vld [tilespmem:s30+$0xFFFFFE30]  }
0xce: {  	v4 =	vld [tilespmem:s30+$0xFFFFFE80]  }
0xcf: {  	v5 =	vld [tilespmem:s30+$0xFFFFFE90];
	v0 =	vmul.f32 $8.000000000e+00, v0  }
0xd0: {  	v6 =	vld [tilespmem:s30+$0xFFFFFEA0];
	v1 =	vmul.f32 $8.000000000e+00, v1  }
0xd1: {  	v7 =	vld [tilespmem:s30+$0xFFFFFEB0];
	v2 =	vmul.f32 $8.000000000e+00, v2;
	[tilespmem:s30+$0x1B0] =	vst v0  }
0xd2: {  	[tilespmem:s30+$0xFFFFFE10] =	vst v1;
	v0 =	vmul.f32 $8.000000000e+00, v3;
	v1 =	vld [tilespmem:s30+$0xFFFFFF00]  }
0xd3: {  	[tilespmem:s30+$0xFFFFFE20] =	vst v2;
	v2 =	vmul.f32 $8.000000000e+00, v4;
	v3 =	vld [tilespmem:s30+$0xFFFFFF10]  }
0xd4: {  	v4 =	vld [tilespmem:s30+$0xFFFFFF20];
	[tilespmem:s30+$0xFFFFFE30] =	vst v0;
	v0 =	vmul.f32 $8.000000000e+00, v5  }
0xd5: {  	[tilespmem:s30+$0xFFFFFE80] =	vst v2;
	v2 =	vmul.f32 $8.000000000e+00, v6;
	v5 =	vld [tilespmem:s30+$0xFFFFFF30]  }
0xd6: {  	v6 =	vld [tilespmem:s30+$0xFFFFFF80];
	[tilespmem:s30+$0xFFFFFE90] =	vst v0;
	v0 =	vmul.f32 $8.000000000e+00, v7  }
0xd7: {  	[tilespmem:s30+$0xFFFFFEA0] =	vst v2;
	v2 =	vld [tilespmem:s30+$0xFFFFFF90];
	v1 =	vmul.f32 $8.000000000e+00, v1  }
0xd8: {  	[tilespmem:s30+$0xFFFFFEB0] =	vst v0;
	v0 =	vmul.f32 $8.000000000e+00, v3;
	v3 =	vld [tilespmem:s30+$0xFFFFFFA0]  }
0xd9: {  	[tilespmem:s30+$0xFFFFFF00] =	vst v1;
	v1 =	vmul.f32 $8.000000000e+00, v4;
	v4 =	vld [tilespmem:s30+$0xFFFFFFB0]  }
0xda: {  	[tilespmem:s30+$0xFFFFFF10] =	vst v0;
	v0 =	vmul.f32 $8.000000000e+00, v5;
	v5 =	vld [tilespmem:s30+$0x0]  }
0xdb: {  	[tilespmem:s30+$0xFFFFFF20] =	vst v1;
	v1 =	vmul.f32 $8.000000000e+00, v6;
	v6 =	vld [tilespmem:s30+$0x10]  }
0xdc: {  	[tilespmem:s30+$0xFFFFFF30] =	vst v0;
	v0 =	vmul.f32 $8.000000000e+00, v2;
	v2 =	vld [tilespmem:s30+$0x20]  }
0xdd: {  	[tilespmem:s30+$0xFFFFFF80] =	vst v1;
	v1 =	vmul.f32 $8.000000000e+00, v3;
	v3 =	vld [tilespmem:s30+$0x30]  }
0xde: {  	[tilespmem:s30+$0xFFFFFF90] =	vst v0;
	v0 =	vmul.f32 $8.000000000e+00, v4;
	v4 =	vld [tilespmem:s30+$0x80]  }
0xdf: {  	[tilespmem:s30+$0xFFFFFFA0] =	vst v1;
	v1 =	vmul.f32 $8.000000000e+00, v5;
	v5 =	vld [tilespmem:s30+$0x90]  }
0xe0: {  	[tilespmem:s30+$0xFFFFFFB0] =	vst v0;
	v0 =	vmul.f32 $8.000000000e+00, v6;
	v6 =	vld [tilespmem:s30+$0xA0]  }
0xe1: {  	[tilespmem:s30+$0x0] =	vst v1;
	v1 =	vmul.f32 $8.000000000e+00, v2;
	v2 =	vld [tilespmem:s30+$0xB0]  }
0xe2: {  	[tilespmem:s30+$0x10] =	vst v0;
	v0 =	vmul.f32 $8.000000000e+00, v3;
	v3 =	vld [tilespmem:s30+$0x100]  }
0xe3: {  	[tilespmem:s30+$0x20] =	vst v1;
	v1 =	vmul.f32 $8.000000000e+00, v4;
	v4 =	vld [tilespmem:s30+$0x110]  }
0xe4: {  	v7 =	vld [tilespmem:s30+$0x120];
	[tilespmem:s30+$0x30] =	vst v0;
	v5 =	vmul.f32 $8.000000000e+00, v5  }
0xe5: {  	v0 =	vld [tilespmem:s30+$0x130];
	[tilespmem:s30+$0x80] =	vst v1;
	v6 =	vmul.f32 $8.000000000e+00, v6  }
0xe6: {  	v1 =	vld [tilespmem:s30+$0x180];
	[tilespmem:s30+$0x90] =	vst v5;
	v5 =	vmul.f32 $8.000000000e+00, v2  }
0xe7: {  	v2 =	vld [tilespmem:s30+$0x190];
	[tilespmem:s30+$0xA0] =	vst v6;
	v6 =	vmul.f32 $8.000000000e+00, v3  }
0xe8: {  	v3 =	vld [tilespmem:s30+$0x1A0];
	[tilespmem:s30+$0xB0] =	vst v5;
	v5 =	vmul.f32 $8.000000000e+00, v4  }
0xe9: {  	s1 =	simm.s32 $0x0;
	s0 =	simm.s32 $0xEA00;
	v4 =	vld [tilespmem:s30+$0xFFFFFE00];
	[tilespmem:s30+$0x100] =	vst v6;
	v6 =	vmul.f32 $8.000000000e+00, v7  }
.LBB2_7:
0xea: {  	v7 =	vld [tilespmem:s0+$0x1B0];
	s1 =	sadd.s32 $0x8, s1;
	[tilespmem:s30+$0x110] =	vst v5;
	v0 =	vmul.f32 $8.000000000e+00, v0  }
0xeb: {  	v5 =	vld [tilespmem:s0+$0xFFFFFE10];
	p0 =	slt.u32 s1, $0x78;
	[tilespmem:s30+$0x120] =	vst v6;
	v1 =	vmul.f32 $8.000000000e+00, v1  }
0xec: {  	v6 =	vld [tilespmem:s0+$0xFFFFFE20];
	[tilespmem:s30+$0x130] =	vst v0;
	v0 =	vmul.f32 $8.000000000e+00, v2  }
0xed: {  	v2 =	vld [tilespmem:s0+$0xFFFFFE30];
	[tilespmem:s30+$0x180] =	vst v1;
	v1 =	vmul.f32 $8.000000000e+00, v3  }
0xee: {  	v3 =	vld [tilespmem:s0+$0xFFFFFE80];
	v4 =	vmul.f32 $8.000000000e+00, v4;
	[tilespmem:s30+$0x190] =	vst v0  }
0xef: {  	v0 =	vld [tilespmem:s0+$0xFFFFFE90];
	v7 =	vmul.f32 $8.000000000e+00, v7;
	[tilespmem:s30+$0x1A0] =	vst v1  }
0xf0: {  	v1 =	vmul.f32 $8.000000000e+00, v5;
	v5 =	vld [tilespmem:s0+$0xFFFFFEA0];
	[tilespmem:s30+$0xFFFFFE00] =	vst v4;
	s30 =	smov.u32 s0  }
0xf1: {  	v4 =	vmul.f32 $8.000000000e+00, v6;
	v6 =	vld [tilespmem:s0+$0xFFFFFEB0];
	[tilespmem:s0+$0x1B0] =	vst v7  }
0xf2: {  	[tilespmem:s0+$0xFFFFFE10] =	vst v1;
	v1 =	vmul.f32 $8.000000000e+00, v2;
	v2 =	vld [tilespmem:s0+$0xFFFFFF00]  }
0xf3: {  	[tilespmem:s0+$0xFFFFFE20] =	vst v4;
	v3 =	vmul.f32 $8.000000000e+00, v3;
	v4 =	vld [tilespmem:s0+$0xFFFFFF10]  }
0xf4: {  	[tilespmem:s0+$0xFFFFFE30] =	vst v1;
	v0 =	vmul.f32 $8.000000000e+00, v0;
	v1 =	vld [tilespmem:s0+$0xFFFFFF20]  }
0xf5: {  	[tilespmem:s0+$0xFFFFFE80] =	vst v3;
	v3 =	vmul.f32 $8.000000000e+00, v5;
	v5 =	vld [tilespmem:s0+$0xFFFFFF30]  }
0xf6: {  	[tilespmem:s0+$0xFFFFFE90] =	vst v0;
	v0 =	vmul.f32 $8.000000000e+00, v6;
	v6 =	vld [tilespmem:s0+$0xFFFFFF80]  }
0xf7: {  	[tilespmem:s0+$0xFFFFFEA0] =	vst v3;
	v2 =	vmul.f32 $8.000000000e+00, v2;
	v3 =	vld [tilespmem:s0+$0xFFFFFF90]  }
0xf8: {  	[tilespmem:s0+$0xFFFFFEB0] =	vst v0;
	v0 =	vmul.f32 $8.000000000e+00, v4;
	v4 =	vld [tilespmem:s0+$0xFFFFFFA0]  }
0xf9: {  	[tilespmem:s0+$0xFFFFFF00] =	vst v2;
	v1 =	vmul.f32 $8.000000000e+00, v1;
	v2 =	vld [tilespmem:s0+$0xFFFFFFB0]  }
0xfa: {  	[tilespmem:s0+$0xFFFFFF10] =	vst v0;
	v0 =	vmul.f32 $8.000000000e+00, v5;
	v5 =	vld [tilespmem:s0+$0x0]  }
0xfb: {  	[tilespmem:s0+$0xFFFFFF20] =	vst v1;
	v1 =	vmul.f32 $8.000000000e+00, v6;
	v6 =	vld [tilespmem:s0+$0x10]  }
0xfc: {  	[tilespmem:s0+$0xFFFFFF30] =	vst v0;
	v0 =	vmul.f32 $8.000000000e+00, v3;
	v3 =	vld [tilespmem:s0+$0x20]  }
0xfd: {  	[tilespmem:s0+$0xFFFFFF80] =	vst v1;
	v1 =	vmul.f32 $8.000000000e+00, v4;
	v4 =	vld [tilespmem:s0+$0x30]  }
0xfe: {  	[tilespmem:s0+$0xFFFFFF90] =	vst v0;
	v0 =	vmul.f32 $8.000000000e+00, v2;
	v2 =	vld [tilespmem:s0+$0x80]  }
0xff: {  	[tilespmem:s0+$0xFFFFFFA0] =	vst v1;
	v1 =	vmul.f32 $8.000000000e+00, v5;
	v5 =	vld [tilespmem:s0+$0x90]  }
0x100: {  	[tilespmem:s0+$0xFFFFFFB0] =	vst v0;
	v0 =	vmul.f32 $8.000000000e+00, v6;
	v6 =	vld [tilespmem:s0+$0xA0]  }
0x101: {  	[tilespmem:s0+$0x0] =	vst v1;
	v1 =	vmul.f32 $8.000000000e+00, v3;
	v3 =	vld [tilespmem:s0+$0xB0]  }
0x102: {  	[tilespmem:s0+$0x10] =	vst v0;
	v0 =	vmul.f32 $8.000000000e+00, v4;
	v4 =	vld [tilespmem:s0+$0x100]  }
0x103: {  	[tilespmem:s0+$0x20] =	vst v1;
	v1 =	vmul.f32 $8.000000000e+00, v2;
	v7 =	vld [tilespmem:s0+$0x110]  }
0x104: {  	[tilespmem:s0+$0x30] =	vst v0;
	v2 =	vmul.f32 $8.000000000e+00, v5;
	v8 =	vld [tilespmem:s0+$0x120]  }
.Ltmp4:
0x105: {  	[tilespmem:s0+$0x80] =	vst v1;
	v5 =	vmul.f32 $8.000000000e+00, v6;
	v0 =	vld [tilespmem:s0+$0x130];
	(pc) =	sbr.rel @p0 .LBB2_7-.Ltmp4, $4  }
0x106: {  	[tilespmem:s0+$0x90] =	vst v2;
	v3 =	vmul.f32 $8.000000000e+00, v3;
	v1 =	vld [tilespmem:s0+$0x180]  }
0x107: {  	[tilespmem:s0+$0xA0] =	vst v5;
	v6 =	vmul.f32 $8.000000000e+00, v4;
	v2 =	vld [tilespmem:s0+$0x190]  }
0x108: {  	[tilespmem:s0+$0xB0] =	vst v3;
	v5 =	vmul.f32 $8.000000000e+00, v7;
	v3 =	vld [tilespmem:s0+$0x1A0]  }
0x109: {  	s0 =	sadd.s32 $0x400, s0;
	v4 =	vld [tilespmem:s30+$0xFFFFFE00];
	[tilespmem:s30+$0x100] =	vst v6;
	v6 =	vmul.f32 $8.000000000e+00, v8  }
0x10a: {  	[tilespmem:s30+$0x110] =	vst v5;
	v0 =	vmul.f32 $8.000000000e+00, v0  }
0x10b: {  	[tilespmem:s30+$0x120] =	vst v6;
	v1 =	vmul.f32 $8.000000000e+00, v1  }
0x10c: {  	[tilespmem:s30+$0x130] =	vst v0;
	v0 =	vmul.f32 $8.000000000e+00, v2  }
0x10d: {  	s0 =	sshll.u32 s29, $0xE;
	[tilespmem:s30+$0x180] =	vst v1;
	v1 =	vmul.f32 $8.000000000e+00, v3  }
0x10e: {  	s0 =	sadd.s32 s5, s0;
	v2 =	vmul.f32 $8.000000000e+00, v4;
	[tilespmem:s30+$0x190] =	vst v0  }
0x10f: {  	s0 =	sshrl.u32 s0, $0x3;
	[tilespmem:s30+$0x1A0] =	vst v1  }
0x110: {  	p0 =	seq.s32 s26, $0x31;
	s0 =	sadd.s32 s3, s0;
	[tilespmem:s30+$0xFFFFFE00] =	vst v2  }
0x111: {  	[hbm4b:s0+s4] =	stream.linear.scatter [tilespmem:s14], [sflag:$0x8], $0x4000, $0x38;
	[tilespmem:$0x16400] =	vst v63  }
0x112: {  	s0 =	simm.s32 @!p0 $0x6  }
0x113: {  	_ =	swait.ge @!p0 [sflag:s0], $0x4000  }
0x114: {  	s1 =	sshll.u32 @!p0 s26, $0x9;
	[sflag:s0] =	ssyncset.done @!p0 $0x0  }
0x115: {  	[sflag:s0] =	ssyncadd.s32 @!p0 $0xFFFFC000;
	s0 =	sand.u32 @!p0 $0x3FFFFE00, s1  }
0x116: {  	s29 =	simm.s32 @!p0 $0x6400;
	s1 =	simm.s32 @!p0 $0x80;
	s0 =	sadd.s32 @!p0 $0x200, s0  }
0x117: {  	[tilespmem:s29], [sflag:$0x2] =	stream.indirect.gather @!p0 [hbm4b:s2+s1], $0x80, s0, s1, $0xb8;
	[tilespmem:$0x16400] =	vst v63  }
0x118: {  	_ =	swait.ge [sflag:s20], $0x4000  }
0x119: {  	[sflag:s20] =	ssyncset.done $0x0  }
0x11a: {  	s29 =	simm.s32 $0x12600;
	[sflag:s20] =	ssyncadd.s32 $0xFFFFC000  }
0x11b: {  	v0 =	vld [tilespmem:s29+$0x1B0]  }
0x11c: {  	v1 =	vld [tilespmem:s29+$0xFFFFFE10]  }
0x11d: {  	v2 =	vld [tilespmem:s29+$0xFFFFFE20]  }
0x11e: {  	v3 =	vld [tilespmem:s29+$0xFFFFFE30]  }
0x11f: {  	v4 =	vld [tilespmem:s29+$0xFFFFFE80]  }
0x120: {  	v5 =	vld [tilespmem:s29+$0xFFFFFE90];
	v0 =	vmul.f32 $8.000000000e+00, v0  }
0x121: {  	v6 =	vld [tilespmem:s29+$0xFFFFFEA0];
	v1 =	vmul.f32 $8.000000000e+00, v1  }
0x122: {  	v7 =	vld [tilespmem:s29+$0xFFFFFEB0];
	v2 =	vmul.f32 $8.000000000e+00, v2;
	[tilespmem:s29+$0x1B0] =	vst v0  }
0x123: {  	[tilespmem:s29+$0xFFFFFE10] =	vst v1;
	v0 =	vmul.f32 $8.000000000e+00, v3;
	v1 =	vld [tilespmem:s29+$0xFFFFFF00]  }
0x124: {  	[tilespmem:s29+$0xFFFFFE20] =	vst v2;
	v2 =	vmul.f32 $8.000000000e+00, v4;
	v3 =	vld [tilespmem:s29+$0xFFFFFF10]  }
0x125: {  	v4 =	vld [tilespmem:s29+$0xFFFFFF20];
	[tilespmem:s29+$0xFFFFFE30] =	vst v0;
	v0 =	vmul.f32 $8.000000000e+00, v5  }
0x126: {  	[tilespmem:s29+$0xFFFFFE80] =	vst v2;
	v2 =	vmul.f32 $8.000000000e+00, v6;
	v5 =	vld [tilespmem:s29+$0xFFFFFF30]  }
0x127: {  	v6 =	vld [tilespmem:s29+$0xFFFFFF80];
	[tilespmem:s29+$0xFFFFFE90] =	vst v0;
	v0 =	vmul.f32 $8.000000000e+00, v7  }
0x128: {  	[tilespmem:s29+$0xFFFFFEA0] =	vst v2;
	v2 =	vld [tilespmem:s29+$0xFFFFFF90];
	v1 =	vmul.f32 $8.000000000e+00, v1  }
0x129: {  	[tilespmem:s29+$0xFFFFFEB0] =	vst v0;
	v0 =	vmul.f32 $8.000000000e+00, v3;
	v3 =	vld [tilespmem:s29+$0xFFFFFFA0]  }
0x12a: {  	[tilespmem:s29+$0xFFFFFF00] =	vst v1;
	v1 =	vmul.f32 $8.000000000e+00, v4;
	v4 =	vld [tilespmem:s29+$0xFFFFFFB0]  }
0x12b: {  	[tilespmem:s29+$0xFFFFFF10] =	vst v0;
	v0 =	vmul.f32 $8.000000000e+00, v5;
	v5 =	vld [tilespmem:s29+$0x0]  }
0x12c: {  	[tilespmem:s29+$0xFFFFFF20] =	vst v1;
	v1 =	vmul.f32 $8.000000000e+00, v6;
	v6 =	vld [tilespmem:s29+$0x10]  }
0x12d: {  	[tilespmem:s29+$0xFFFFFF30] =	vst v0;
	v0 =	vmul.f32 $8.000000000e+00, v2;
	v2 =	vld [tilespmem:s29+$0x20]  }
0x12e: {  	[tilespmem:s29+$0xFFFFFF80] =	vst v1;
	v1 =	vmul.f32 $8.000000000e+00, v3;
	v3 =	vld [tilespmem:s29+$0x30]  }
0x12f: {  	[tilespmem:s29+$0xFFFFFF90] =	vst v0;
	v0 =	vmul.f32 $8.000000000e+00, v4;
	v4 =	vld [tilespmem:s29+$0x80]  }
0x130: {  	[tilespmem:s29+$0xFFFFFFA0] =	vst v1;
	v1 =	vmul.f32 $8.000000000e+00, v5;
	v5 =	vld [tilespmem:s29+$0x90]  }
0x131: {  	[tilespmem:s29+$0xFFFFFFB0] =	vst v0;
	v0 =	vmul.f32 $8.000000000e+00, v6;
	v6 =	vld [tilespmem:s29+$0xA0]  }
0x132: {  	[tilespmem:s29+$0x0] =	vst v1;
	v1 =	vmul.f32 $8.000000000e+00, v2;
	v2 =	vld [tilespmem:s29+$0xB0]  }
0x133: {  	[tilespmem:s29+$0x10] =	vst v0;
	v0 =	vmul.f32 $8.000000000e+00, v3;
	v3 =	vld [tilespmem:s29+$0x100]  }
0x134: {  	[tilespmem:s29+$0x20] =	vst v1;
	v1 =	vmul.f32 $8.000000000e+00, v4;
	v4 =	vld [tilespmem:s29+$0x110]  }
0x135: {  	v7 =	vld [tilespmem:s29+$0x120];
	[tilespmem:s29+$0x30] =	vst v0;
	v5 =	vmul.f32 $8.000000000e+00, v5  }
0x136: {  	v0 =	vld [tilespmem:s29+$0x130];
	[tilespmem:s29+$0x80] =	vst v1;
	v6 =	vmul.f32 $8.000000000e+00, v6  }
0x137: {  	v1 =	vld [tilespmem:s29+$0x180];
	[tilespmem:s29+$0x90] =	vst v5;
	v5 =	vmul.f32 $8.000000000e+00, v2  }
0x138: {  	v2 =	vld [tilespmem:s29+$0x190];
	[tilespmem:s29+$0xA0] =	vst v6;
	v6 =	vmul.f32 $8.000000000e+00, v3  }
0x139: {  	v3 =	vld [tilespmem:s29+$0x1A0];
	[tilespmem:s29+$0xB0] =	vst v5;
	v5 =	vmul.f32 $8.000000000e+00, v4  }
0x13a: {  	s1 =	simm.s32 $0x0;
	s0 =	simm.s32 $0x12A00;
	v4 =	vld [tilespmem:s29+$0xFFFFFE00];
	[tilespmem:s29+$0x100] =	vst v6;
	v6 =	vmul.f32 $8.000000000e+00, v7  }
.LBB2_9:
0x13b: {  	v7 =	vld [tilespmem:s0+$0x1B0];
	s1 =	sadd.s32 $0x8, s1;
	[tilespmem:s29+$0x110] =	vst v5;
	v0 =	vmul.f32 $8.000000000e+00, v0  }
0x13c: {  	v5 =	vld [tilespmem:s0+$0xFFFFFE10];
	p1 =	slt.u32 s1, $0x78;
	[tilespmem:s29+$0x120] =	vst v6;
	v1 =	vmul.f32 $8.000000000e+00, v1  }
0x13d: {  	v6 =	vld [tilespmem:s0+$0xFFFFFE20];
	[tilespmem:s29+$0x130] =	vst v0;
	v0 =	vmul.f32 $8.000000000e+00, v2  }
0x13e: {  	v2 =	vld [tilespmem:s0+$0xFFFFFE30];
	[tilespmem:s29+$0x180] =	vst v1;
	v1 =	vmul.f32 $8.000000000e+00, v3  }
0x13f: {  	v3 =	vld [tilespmem:s0+$0xFFFFFE80];
	v4 =	vmul.f32 $8.000000000e+00, v4;
	[tilespmem:s29+$0x190] =	vst v0  }
0x140: {  	v0 =	vld [tilespmem:s0+$0xFFFFFE90];
	v7 =	vmul.f32 $8.000000000e+00, v7;
	[tilespmem:s29+$0x1A0] =	vst v1  }
0x141: {  	v1 =	vmul.f32 $8.000000000e+00, v5;
	v5 =	vld [tilespmem:s0+$0xFFFFFEA0];
	[tilespmem:s29+$0xFFFFFE00] =	vst v4;
	s29 =	smov.u32 s0  }
0x142: {  	v4 =	vmul.f32 $8.000000000e+00, v6;
	v6 =	vld [tilespmem:s0+$0xFFFFFEB0];
	[tilespmem:s0+$0x1B0] =	vst v7  }
0x143: {  	[tilespmem:s0+$0xFFFFFE10] =	vst v1;
	v1 =	vmul.f32 $8.000000000e+00, v2;
	v2 =	vld [tilespmem:s0+$0xFFFFFF00]  }
0x144: {  	[tilespmem:s0+$0xFFFFFE20] =	vst v4;
	v3 =	vmul.f32 $8.000000000e+00, v3;
	v4 =	vld [tilespmem:s0+$0xFFFFFF10]  }
0x145: {  	[tilespmem:s0+$0xFFFFFE30] =	vst v1;
	v0 =	vmul.f32 $8.000000000e+00, v0;
	v1 =	vld [tilespmem:s0+$0xFFFFFF20]  }
0x146: {  	[tilespmem:s0+$0xFFFFFE80] =	vst v3;
	v3 =	vmul.f32 $8.000000000e+00, v5;
	v5 =	vld [tilespmem:s0+$0xFFFFFF30]  }
0x147: {  	[tilespmem:s0+$0xFFFFFE90] =	vst v0;
	v0 =	vmul.f32 $8.000000000e+00, v6;
	v6 =	vld [tilespmem:s0+$0xFFFFFF80]  }
0x148: {  	[tilespmem:s0+$0xFFFFFEA0] =	vst v3;
	v2 =	vmul.f32 $8.000000000e+00, v2;
	v3 =	vld [tilespmem:s0+$0xFFFFFF90]  }
0x149: {  	[tilespmem:s0+$0xFFFFFEB0] =	vst v0;
	v0 =	vmul.f32 $8.000000000e+00, v4;
	v4 =	vld [tilespmem:s0+$0xFFFFFFA0]  }
0x14a: {  	[tilespmem:s0+$0xFFFFFF00] =	vst v2;
	v1 =	vmul.f32 $8.000000000e+00, v1;
	v2 =	vld [tilespmem:s0+$0xFFFFFFB0]  }
0x14b: {  	[tilespmem:s0+$0xFFFFFF10] =	vst v0;
	v0 =	vmul.f32 $8.000000000e+00, v5;
	v5 =	vld [tilespmem:s0+$0x0]  }
0x14c: {  	[tilespmem:s0+$0xFFFFFF20] =	vst v1;
	v1 =	vmul.f32 $8.000000000e+00, v6;
	v6 =	vld [tilespmem:s0+$0x10]  }
0x14d: {  	[tilespmem:s0+$0xFFFFFF30] =	vst v0;
	v0 =	vmul.f32 $8.000000000e+00, v3;
	v3 =	vld [tilespmem:s0+$0x20]  }
0x14e: {  	[tilespmem:s0+$0xFFFFFF80] =	vst v1;
	v1 =	vmul.f32 $8.000000000e+00, v4;
	v4 =	vld [tilespmem:s0+$0x30]  }
0x14f: {  	[tilespmem:s0+$0xFFFFFF90] =	vst v0;
	v0 =	vmul.f32 $8.000000000e+00, v2;
	v2 =	vld [tilespmem:s0+$0x80]  }
0x150: {  	[tilespmem:s0+$0xFFFFFFA0] =	vst v1;
	v1 =	vmul.f32 $8.000000000e+00, v5;
	v5 =	vld [tilespmem:s0+$0x90]  }
0x151: {  	[tilespmem:s0+$0xFFFFFFB0] =	vst v0;
	v0 =	vmul.f32 $8.000000000e+00, v6;
	v6 =	vld [tilespmem:s0+$0xA0]  }
0x152: {  	[tilespmem:s0+$0x0] =	vst v1;
	v1 =	vmul.f32 $8.000000000e+00, v3;
	v3 =	vld [tilespmem:s0+$0xB0]  }
0x153: {  	[tilespmem:s0+$0x10] =	vst v0;
	v0 =	vmul.f32 $8.000000000e+00, v4;
	v4 =	vld [tilespmem:s0+$0x100]  }
0x154: {  	[tilespmem:s0+$0x20] =	vst v1;
	v1 =	vmul.f32 $8.000000000e+00, v2;
	v7 =	vld [tilespmem:s0+$0x110]  }
0x155: {  	[tilespmem:s0+$0x30] =	vst v0;
	v2 =	vmul.f32 $8.000000000e+00, v5;
	v8 =	vld [tilespmem:s0+$0x120]  }
.Ltmp5:
0x156: {  	[tilespmem:s0+$0x80] =	vst v1;
	v5 =	vmul.f32 $8.000000000e+00, v6;
	v0 =	vld [tilespmem:s0+$0x130];
	(pc) =	sbr.rel @p1 .LBB2_9-.Ltmp5, $4  }
0x157: {  	[tilespmem:s0+$0x90] =	vst v2;
	v3 =	vmul.f32 $8.000000000e+00, v3;
	v1 =	vld [tilespmem:s0+$0x180]  }
0x158: {  	[tilespmem:s0+$0xA0] =	vst v5;
	v6 =	vmul.f32 $8.000000000e+00, v4;
	v2 =	vld [tilespmem:s0+$0x190]  }
0x159: {  	[tilespmem:s0+$0xB0] =	vst v3;
	v5 =	vmul.f32 $8.000000000e+00, v7;
	v3 =	vld [tilespmem:s0+$0x1A0]  }
0x15a: {  	s0 =	sadd.s32 $0x400, s0;
	v4 =	vld [tilespmem:s29+$0xFFFFFE00];
	[tilespmem:s29+$0x100] =	vst v6;
	v6 =	vmul.f32 $8.000000000e+00, v8  }
0x15b: {  	[tilespmem:s29+$0x110] =	vst v5;
	v0 =	vmul.f32 $8.000000000e+00, v0  }
0x15c: {  	[tilespmem:s29+$0x120] =	vst v6;
	v1 =	vmul.f32 $8.000000000e+00, v1  }
0x15d: {  	[tilespmem:s29+$0x130] =	vst v0;
	v61 =	vmul.f32 $8.000000000e+00, v2  }
.Ltmp6:
0x15e: {  	s0 =	sshll.u32 s28, $0xE;
	[tilespmem:s29+$0x180] =	vst v1;
	v62 =	vmul.f32 $8.000000000e+00, v3;
	(pc) =	sbr.rel @p0 .LBB2_12-.Ltmp6, $4  }
0x15f: {  	s0 =	sadd.s32 s5, s0;
	v63 =	vmul.f32 $8.000000000e+00, v4;
	[tilespmem:s29+$0x190] =	vst v61  }
0x160: {  	s0 =	sshrl.u32 s0, $0x3;
	[tilespmem:s29+$0x1A0] =	vst v62  }
0x161: {  	s0 =	sadd.s32 s3, s0;
	[tilespmem:s29+$0xFFFFFE00] =	vst v63  }
0x162: {  	[hbm4b:s0+s4] =	stream.linear.scatter [tilespmem:s16], [sflag:$0x9], $0x4000, $0x38;
	[tilespmem:$0x16400] =	vst v63  }
.Ltmp7:
0x163: {  	(pc) =	sbr.rel .LBB2_2-.Ltmp7, $4  }
0x164: {  	_ =	swait.ge [sflag:s22], $0x4000;
	s0 =	sshll.u32 s26, $0x9  }
0x165: {  	[sflag:s22] =	ssyncset.done $0x0;
	s0 =	sand.u32 $0x3FFFFE00, s0  }
0x166: {  	s26 =	sadd.s32 $0x1, s26;
	[sflag:s22] =	ssyncadd.s32 $0xFFFFC000;
	s0 =	sadd.s32 $0x280, s0  }
0x167: {  	[tilespmem:s12], [sflag:$0x3] =	stream.indirect.gather [hbm4b:s2+s10], $0x80, s0, s10, $0xb8;
	[tilespmem:$0x16400] =	vst v63  }
.LBB2_13:
0x168: {  	_ =	sfence.sel $0x180000  }
0x169: {  	[bflag:$0x0] =	sbarrier.arrive $0xFFFF  }
0x16a: {  	_ =	strace $0x90000047  }
0x16b: {  	s0 =	stileid.u32;
	[bflag:$0x2] =	sbarrier.arrive $0xFFFF  }
0x16c: {  	p0 =	sne.s32 s0, $0x0;
	s0 =	rddreg [dreg:$0x3]  }
0x16d: {  	s0 =	sadd.s32 @!p0 $0x100000, s0  }
0x16e: {  	[sflag:s0] =	ssyncadd.tile.s32 @!p0 $0x1;
	_ =	shalt  }
.Lfunc_end2:
_tile_overlayer_lowered:
.L_overlay_start_2:
0x16f: {  	(tag) =	ssettag $0x2  }
0x170: {  	s0 =	rddreg [dreg:$0x0];
	s2 =	stileid.u32  }
0x171: {  	s1 =	rddreg [dreg:$0x1];
	p0 =	sne.s32 s2, $0x0  }
0x172: {  	s3 =	rddreg [dreg:$0x2];
	[bflag:$0x3] =	sbarrier.arrive $0xFFFF;
	s2 =	simm.s32 @!p0 $0x1C0A  }
0x173: {  	[timem:s3], [sflag:s2] =	dma.local @!p0 [hbm:s0], s1  }
0x174: {  	s0 =	simm.s32 @!p0 $0xA  }
0x175: {  	_ =	swait.ge @!p0 [sflag:s0], s1  }
0x176: {  	s1 =	ssub.s32 @!p0 $0x0, s1;
	[sflag:s0] =	ssyncset.done @!p0 $0x0  }
0x177: {  	[sflag:s0] =	ssyncadd.s32 @!p0 s1  }
0x178: {  	[bflag:$0x3] =	sbarrier.arrive $0xFFFF  }
0x179: {  	_ =	shalt  }

</sc_bundles>
